<compile_context>
chip_gen: v7x
topology: tpu7x:2x2x1
jax: 0.10.2.dev20260603
libtpu: 0.0.44.dev20260713+nightly
codegen_flags: <defaults>
</compile_context>

<pallas_src>
import functools

import jax
import jax.numpy as jnp
from jax import lax
from jax.experimental import pallas as pl
from jax.experimental.pallas import tpu as pltpu
from jax.experimental.pallas import tpu_sc as plsc

_N = 50000
_NBX = 256
_NBY = 256
_BS = 2.0
_TGT = 0.9 * (_BS * _BS)
_NIMP = 7
_NC = 2
_NS = 16
_L = 16
_NW = _NC * _NS
_C = 1568
_NV = _C // _L
_ROWS = _NBX + 1


def _sc_body(pos, sx, sy, axr, bxr, cxr, ayr, byr, cyr, out_hbm,
             s_px, s_py, s_sx, s_sy, s_ax, s_bx, s_cx, s_ay, s_by, s_cy,
             priv, shared, idx_a, idx_b, sem):
  cid = lax.axis_index("c")
  sid = lax.axis_index("s")
  wid = sid * _NC + cid
  lo = wid * _C
  base = jnp.minimum(lo, _N - _C)

  cps = [
      pltpu.async_copy(pos.at[pl.ds(base, _C)], s_px, sem),
      pltpu.async_copy(pos.at[pl.ds(base + _N, _C)], s_py, sem),
      pltpu.async_copy(sx.at[pl.ds(base, _C)], s_sx, sem),
      pltpu.async_copy(sy.at[pl.ds(base, _C)], s_sy, sem),
      pltpu.async_copy(axr.at[pl.ds(base, _C)], s_ax, sem),
      pltpu.async_copy(bxr.at[pl.ds(base, _C)], s_bx, sem),
      pltpu.async_copy(cxr.at[pl.ds(base, _C)], s_cx, sem),
      pltpu.async_copy(ayr.at[pl.ds(base, _C)], s_ay, sem),
      pltpu.async_copy(byr.at[pl.ds(base, _C)], s_by, sem),
      pltpu.async_copy(cyr.at[pl.ds(base, _C)], s_cy, sem),
  ]

  for j in range(128 // _L):
    iota = lax.iota(jnp.int32, _L)
    idx_a[pl.ds(j * _L, _L)] = iota + (j * _L)
    idx_b[pl.ds(j * _L, _L)] = iota + (j * _L + 128)

  zero = jnp.zeros((_L,), jnp.float32)

  def _zrow(i, carry):
    for j in range(_NBY // _L):
      priv[i, pl.ds(j * _L, _L)] = zero
    return carry

  lax.fori_loop(0, _NBX, _zrow, None)

  @pl.when(sid == 0)
  def _():
    pltpu.sync_copy(priv.at[pl.ds(0, _NBX)], shared)

  for cp in cps:
    cp.wait()

  zero = jnp.zeros((_L,), jnp.float32)

  @pl.when(lo != base)
  def _():
    for j in range((_NW * _C - _N) // _L):
      s_cx[pl.ds(j * _L, _L)] = zero

  zrow = lax.iota(jnp.int32, _L) * 0

  def _node_vreg(i, carry):
    off = i * _L
    sl = pl.ds(off, _L)
    halfx = s_sx[sl] * 0.5
    xc = s_px[sl] + halfx
    r1x = halfx + _BS
    r2x = halfx + 2.0 * _BS
    w = s_cx[sl] * s_cy[sl]
    bwx = s_bx[sl] * w
    abwx = (s_ax[sl] + s_bx[sl]) * w
    tx = (xc - r2x) * (1.0 / _BS)
    blx = jnp.maximum(tx.astype(jnp.int32), 0)
    t0x = xc - (2 * blx + 1).astype(jnp.float32)
    blx8 = blx << 8

    halfy = s_sy[sl] * 0.5
    yc = s_py[sl] + halfy
    r1y = halfy + _BS
    r2y = halfy + 2.0 * _BS
    aby = s_ay[sl] + s_by[sl]
    byv = s_by[sl]
    ty = (yc - r2y) * (1.0 / _BS)
    bly = jnp.maximum(ty.astype(jnp.int32), 0)
    t0y = yc - (2 * bly + 1).astype(jnp.float32)

    wpx = []
    ix8 = []
    for k in range(_NIMP):
      d = jnp.abs(t0x - (2.0 * k))
      m2 = jnp.minimum(d, r2x) - r2x
      m1 = jnp.minimum(d, r1x) - r1x
      wpx.append(bwx * (m2 * m2) - abwx * (m1 * m1))
      ix8.append(jnp.minimum(blx8 + (k << 8), _NBX << 8))
    py = []
    iyc = []
    for k in range(_NIMP):
      idx = bly + k
      d = jnp.abs(t0y - (2.0 * k))
      d = jnp.where(idx < _NBY, d, 1e9)
      m2 = jnp.minimum(d, r2y) - r2y
      m1 = jnp.minimum(d, r1y) - r1y
      py.append(byv * (m2 * m2) - aby * (m1 * m1))
      iyc.append(jnp.minimum(idx, _NBY - 1))
    for k1 in range(_NIMP):
      for k2 in range(_NIMP):
        plsc.addupdate_scatter(priv, [zrow, ix8[k1] + iyc[k2]],
                               wpx[k1] * py[k2])
    return carry

  lax.fori_loop(0, _NV, _node_vreg, None)

  plsc.subcore_barrier()
  m1 = pltpu.async_copy(priv.at[pl.ds(0, 128)], shared.at[idx_a],
                        sem, add=True)
  m2 = pltpu.async_copy(priv.at[pl.ds(128, 128)],
                        shared.at[idx_b], sem, add=True)
  m1.wait()
  m2.wait()
  plsc.subcore_barrier()

  ocp = []
  for j in range(2):
    ts = sid * 2 + j
    for c in range(2):
      ocp.append(pltpu.async_copy(
          shared.at[pl.ds(ts * 8, 8), pl.ds(c * 128, 128)],
          out_hbm.at[cid, ts, c], sem))
  for cp in ocp:
    cp.wait()


_sc_scatter = functools.partial(
    pl.kernel,
    out_type=jax.ShapeDtypeStruct((_NC, _NBX // 8, 2, 8, 128), jnp.float32),
    mesh=plsc.VectorSubcoreMesh(core_axis_name="c", subcore_axis_name="s"),
    compiler_params=pltpu.CompilerParams(use_tc_tiling_on_sc=False,
                                         needs_layout_passes=False),
    scratch_types=(
        [pltpu.VMEM((_C,), jnp.float32) for _ in range(10)]
        + [
            pltpu.VMEM((_ROWS, _NBY), jnp.float32),
            pltpu.VMEM_SHARED((_NBX, _NBY), jnp.float32),
            pltpu.VMEM((128,), jnp.int32),
            pltpu.VMEM((128,), jnp.int32),
            pltpu.SemaphoreType.DMA,
        ]
    ),
)(_sc_body)


def _cost_body(m_ref, init_ref, out_ref):
  def blk(t, acc):
    r0 = t * 8
    a0 = (m_ref[0, t, 0] + m_ref[1, t, 0]
          + init_ref[pl.ds(r0, 8), pl.ds(0, 128)] - _TGT)
    a1 = (m_ref[0, t, 1] + m_ref[1, t, 1]
          + init_ref[pl.ds(r0, 8), pl.ds(128, 128)] - _TGT)
    return acc + a0 * a0 + a1 * a1

  acc = lax.fori_loop(0, _NBX // 8, blk, jnp.zeros((8, 128), jnp.float32))
  out_ref[...] = jnp.sum(acc, keepdims=True)


_tc_cost = pl.pallas_call(
    _cost_body,
    out_shape=jax.ShapeDtypeStruct((1, 1), jnp.float32),
)


def kernel(pos, node_size_x, node_size_y, ax, bx, cx, ay, by, cy,
           initial_density_map):
  maps = _sc_scatter(pos, node_size_x, node_size_y, ax, bx, cx, ay, by, cy)
  cost = _tc_cost(maps, initial_density_map)
  return cost[0, 0]

# --- scband reference (transcript-rebuilt; emitter-appended) ---
"""Pipeline reference for scband-density-potential-20959440404551 (READ-ONLY COPY).

The authoritative reference and input builder live on the scoring server;
editing this copy changes nothing except your own understanding.
"""

import jax, jax.numpy as jnp
import numpy as np

NUM_MOVABLE = 40000
NUM_FILLER = 10000
N = NUM_MOVABLE + NUM_FILLER
XL, YL, XH, YH = 0.0, 0.0, 512.0, 512.0
BIN_SIZE_X = 2.0
BIN_SIZE_Y = 2.0
NUM_BINS_X = 256
NUM_BINS_Y = 256
TARGET_DENSITY = 0.9
NIMP = 7  # num impacted bins per axis (bell support <= w/2+2*bw on each side)


def _local_potential(coord, size, a, b, bin_size, lo, num_bins):
    # NTUPlace3 bell-shaped potential evaluated only at impacted bins.
    half = size * 0.5
    r2 = half + 2.0 * bin_size
    bin_lo = jnp.clip(jnp.floor((coord - r2 - lo) / bin_size).astype(jnp.int32), 0, num_bins - 1)
    idx = bin_lo[:, None] + jnp.arange(NIMP, dtype=jnp.int32)[None, :]
    valid = (idx < num_bins).astype(coord.dtype)
    idxc = jnp.clip(idx, 0, num_bins - 1)
    bc = lo + (idxc.astype(coord.dtype) + 0.5) * bin_size
    dist = jnp.abs(coord[:, None] - bc)
    r1 = (half + bin_size)[:, None]
    r2b = r2[:, None]
    p = jnp.where(dist <= r1, 1.0 - a[:, None] * dist * dist,
                  jnp.where(dist <= r2b, b[:, None] * (dist - r2b) ** 2, 0.0))
    return p * valid, idxc


def setup_inputs(seed: int = 0) -> dict:
    key = jax.random.key(seed)
    k1, k2, k3, k4 = jax.random.split(key, 4)
    node_size_x = jax.random.uniform(k1, (N,), jnp.float32, 1.0, 4.0)
    node_size_y = jax.random.uniform(k2, (N,), jnp.float32, 1.0, 4.0)
    pos_x = jax.random.uniform(k3, (N,), jnp.float32, XL, XH - 4.0)
    pos_y = jax.random.uniform(k4, (N,), jnp.float32, YL, YH - 4.0)
    pos = jnp.concatenate([pos_x, pos_y])
    # NTUPlace3 bell-shape coefficients (per node)
    ax = 4.0 / ((node_size_x + 2 * BIN_SIZE_X) * (node_size_x + 4 * BIN_SIZE_X))
    bx = 2.0 / (BIN_SIZE_X * (node_size_x + 4 * BIN_SIZE_X))
    ay = 4.0 / ((node_size_y + 2 * BIN_SIZE_Y) * (node_size_y + 4 * BIN_SIZE_Y))
    by = 2.0 / (BIN_SIZE_Y * (node_size_y + 4 * BIN_SIZE_Y))
    # c normalization so each cell deposits exactly its area onto the grid
    xc = pos_x + node_size_x * 0.5
    yc = pos_y + node_size_y * 0.5
    px, _ = _local_potential(xc, node_size_x, ax, bx, BIN_SIZE_X, XL, NUM_BINS_X)
    py, _ = _local_potential(yc, node_size_y, ay, by, BIN_SIZE_Y, YL, NUM_BINS_Y)
    area = node_size_x * node_size_y
    c = area / jnp.maximum(px.sum(1) * py.sum(1), 1e-12)
    cx = jnp.sqrt(c)
    cy = jnp.sqrt(c)
    initial_density_map = jnp.zeros((NUM_BINS_X, NUM_BINS_Y), jnp.float32)
    return {"pos": pos, "node_size_x": node_size_x, "node_size_y": node_size_y,
            "ax": ax, "bx": bx, "cx": cx, "ay": ay, "by": by, "cy": cy,
            "initial_density_map": initial_density_map}


def reference(pos, node_size_x, node_size_y, ax, bx, cx, ay, by, cy, initial_density_map):
    n = node_size_x.shape[0]
    xc = pos[:n] + node_size_x * 0.5
    yc = pos[n:] + node_size_y * 0.5
    px, ix = _local_potential(xc, node_size_x, ax, bx, BIN_SIZE_X, XL, NUM_BINS_X)
    py, iy = _local_potential(yc, node_size_y, ay, by, BIN_SIZE_Y, YL, NUM_BINS_Y)
    w = cx * cy
    contrib = w[:, None, None] * px[:, :, None] * py[:, None, :]  # [N, NIMP, NIMP]
    flat_idx = (ix[:, :, None] * NUM_BINS_Y + iy[:, None, :]).reshape(-1)
    density_map = jnp.zeros(NUM_BINS_X * NUM_BINS_Y, jnp.float32).at[flat_idx].add(contrib.reshape(-1))
    density_map = density_map.reshape(NUM_BINS_X, NUM_BINS_Y) + initial_density_map
    bin_area = BIN_SIZE_X * BIN_SIZE_Y
    cost = jnp.sum((density_map - TARGET_DENSITY * bin_area) ** 2)
    return cost

if __name__ == "__main__":
    import jax
    _d = setup_inputs()
    print(jax.jit(kernel)(*tuple(_d.values())))

</pallas_src>

<mosaic_0001>
#map = affine_map<(d0, d1) -> (0)>
#map1 = affine_map<(d0, d1) -> (0, 0, 0, 0, 0)>
module attributes {stable_mosaic.version = 14 : i64} {
  func.func @_sc_body(%arg0: i32, %arg1: i32, %arg2: memref<100000xf32, #tpu.memory_space<hbm>>, %arg3: memref<50000xf32, #tpu.memory_space<hbm>>, %arg4: memref<50000xf32, #tpu.memory_space<hbm>>, %arg5: memref<50000xf32, #tpu.memory_space<hbm>>, %arg6: memref<50000xf32, #tpu.memory_space<hbm>>, %arg7: memref<50000xf32, #tpu.memory_space<hbm>>, %arg8: memref<50000xf32, #tpu.memory_space<hbm>>, %arg9: memref<50000xf32, #tpu.memory_space<hbm>>, %arg10: memref<50000xf32, #tpu.memory_space<hbm>>, %arg11: memref<2x32x2x8x128xf32, #tpu.memory_space<hbm>>, %arg12: memref<1568xf32, #tpu.memory_space<vmem>>, %arg13: memref<1568xf32, #tpu.memory_space<vmem>>, %arg14: memref<1568xf32, #tpu.memory_space<vmem>>, %arg15: memref<1568xf32, #tpu.memory_space<vmem>>, %arg16: memref<1568xf32, #tpu.memory_space<vmem>>, %arg17: memref<1568xf32, #tpu.memory_space<vmem>>, %arg18: memref<1568xf32, #tpu.memory_space<vmem>>, %arg19: memref<1568xf32, #tpu.memory_space<vmem>>, %arg20: memref<1568xf32, #tpu.memory_space<vmem>>, %arg21: memref<1568xf32, #tpu.memory_space<vmem>>, %arg22: memref<257x256xf32, #tpu.memory_space<vmem>>, %arg23: memref<256x256xf32, #tpu.memory_space<vmem_shared>>, %arg24: memref<128xi32, #tpu.memory_space<vmem>>, %arg25: memref<128xi32, #tpu.memory_space<vmem>>, %arg26: memref<!tpu.dma_semaphore, #tpu.memory_space<semaphore_mem>>) attributes {dimension_semantics = [#tpu.dimension_semantics<core_parallel>, #tpu.dimension_semantics<subcore_parallel>], iteration_bounds = array<i64: 2, 16>, scalar_prefetch = 0 : i64, scratch_operands = 15 : i64, tpu.core_type = #tpu.core_type<sc_vector_subcore>, window_params = [{transform_indices = #map}, {transform_indices = #map}, {transform_indices = #map}, {transform_indices = #map}, {transform_indices = #map}, {transform_indices = #map}, {transform_indices = #map}, {transform_indices = #map}, {transform_indices = #map}, {transform_indices = #map1}]} {
    %mul3A = arith.constant 2 : i32
    %mul3A_0 = arith.muli %arg1, %mul3A : i32
    %add3A = arith.addi %mul3A_0, %arg0 : i32
    %mul3A_1 = arith.constant 1568 : i32
    %mul3A_2 = arith.muli %add3A, %mul3A_1 : i32
    %min3A = arith.constant 48432 : i32
    %min3A_3 = arith.minsi %mul3A_2, %min3A : i32
    %dma_start3A = tpu.memref_slice %arg2[%min3A_3] : memref<100000xf32, #tpu.memory_space<hbm>> -> memref<1568xf32, #tpu.memory_space<hbm>>
    %dma_start3A_4 = tpu.memref_slice %arg2[%min3A_3] : memref<100000xf32, #tpu.memory_space<hbm>> -> memref<1568xf32, #tpu.memory_space<hbm>>
    tpu.enqueue_dma source(%dma_start3A_4 : memref<1568xf32, #tpu.memory_space<hbm>>) target(%arg12 : memref<1568xf32, #tpu.memory_space<vmem>>) target_semaphore(%arg26 : memref<!tpu.dma_semaphore, #tpu.memory_space<semaphore_mem>>)
    %add3A_5 = arith.constant 50000 : i32
    %add3A_6 = arith.addi %min3A_3, %add3A_5 : i32
    %dma_start3A_7 = tpu.memref_slice %arg2[%add3A_6] : memref<100000xf32, #tpu.memory_space<hbm>> -> memref<1568xf32, #tpu.memory_space<hbm>>
    %dma_start3A_8 = tpu.memref_slice %arg2[%add3A_6] : memref<100000xf32, #tpu.memory_space<hbm>> -> memref<1568xf32, #tpu.memory_space<hbm>>
    tpu.enqueue_dma source(%dma_start3A_8 : memref<1568xf32, #tpu.memory_space<hbm>>) target(%arg13 : memref<1568xf32, #tpu.memory_space<vmem>>) target_semaphore(%arg26 : memref<!tpu.dma_semaphore, #tpu.memory_space<semaphore_mem>>)
    %dma_start3A_9 = tpu.memref_slice %arg3[%min3A_3] : memref<50000xf32, #tpu.memory_space<hbm>> -> memref<1568xf32, #tpu.memory_space<hbm>>
    %dma_start3A_10 = tpu.memref_slice %arg3[%min3A_3] : memref<50000xf32, #tpu.memory_space<hbm>> -> memref<1568xf32, #tpu.memory_space<hbm>>
    tpu.enqueue_dma source(%dma_start3A_10 : memref<1568xf32, #tpu.memory_space<hbm>>) target(%arg14 : memref<1568xf32, #tpu.memory_space<vmem>>) target_semaphore(%arg26 : memref<!tpu.dma_semaphore, #tpu.memory_space<semaphore_mem>>)
    %dma_start3A_11 = tpu.memref_slice %arg4[%min3A_3] : memref<50000xf32, #tpu.memory_space<hbm>> -> memref<1568xf32, #tpu.memory_space<hbm>>
    %dma_start3A_12 = tpu.memref_slice %arg4[%min3A_3] : memref<50000xf32, #tpu.memory_space<hbm>> -> memref<1568xf32, #tpu.memory_space<hbm>>
    tpu.enqueue_dma source(%dma_start3A_12 : memref<1568xf32, #tpu.memory_space<hbm>>) target(%arg15 : memref<1568xf32, #tpu.memory_space<vmem>>) target_semaphore(%arg26 : memref<!tpu.dma_semaphore, #tpu.memory_space<semaphore_mem>>)
    %dma_start3A_13 = tpu.memref_slice %arg5[%min3A_3] : memref<50000xf32, #tpu.memory_space<hbm>> -> memref<1568xf32, #tpu.memory_space<hbm>>
    %dma_start3A_14 = tpu.memref_slice %arg5[%min3A_3] : memref<50000xf32, #tpu.memory_space<hbm>> -> memref<1568xf32, #tpu.memory_space<hbm>>
    tpu.enqueue_dma source(%dma_start3A_14 : memref<1568xf32, #tpu.memory_space<hbm>>) target(%arg16 : memref<1568xf32, #tpu.memory_space<vmem>>) target_semaphore(%arg26 : memref<!tpu.dma_semaphore, #tpu.memory_space<semaphore_mem>>)
    %dma_start3A_15 = tpu.memref_slice %arg6[%min3A_3] : memref<50000xf32, #tpu.memory_space<hbm>> -> memref<1568xf32, #tpu.memory_space<hbm>>
    %dma_start3A_16 = tpu.memref_slice %arg6[%min3A_3] : memref<50000xf32, #tpu.memory_space<hbm>> -> memref<1568xf32, #tpu.memory_space<hbm>>
    tpu.enqueue_dma source(%dma_start3A_16 : memref<1568xf32, #tpu.memory_space<hbm>>) target(%arg17 : memref<1568xf32, #tpu.memory_space<vmem>>) target_semaphore(%arg26 : memref<!tpu.dma_semaphore, #tpu.memory_space<semaphore_mem>>)
    %dma_start3A_17 = tpu.memref_slice %arg7[%min3A_3] : memref<50000xf32, #tpu.memory_space<hbm>> -> memref<1568xf32, #tpu.memory_space<hbm>>
    %dma_start3A_18 = tpu.memref_slice %arg7[%min3A_3] : memref<50000xf32, #tpu.memory_space<hbm>> -> memref<1568xf32, #tpu.memory_space<hbm>>
    tpu.enqueue_dma source(%dma_start3A_18 : memref<1568xf32, #tpu.memory_space<hbm>>) target(%arg18 : memref<1568xf32, #tpu.memory_space<vmem>>) target_semaphore(%arg26 : memref<!tpu.dma_semaphore, #tpu.memory_space<semaphore_mem>>)
    %dma_start3A_19 = tpu.memref_slice %arg8[%min3A_3] : memref<50000xf32, #tpu.memory_space<hbm>> -> memref<1568xf32, #tpu.memory_space<hbm>>
    %dma_start3A_20 = tpu.memref_slice %arg8[%min3A_3] : memref<50000xf32, #tpu.memory_space<hbm>> -> memref<1568xf32, #tpu.memory_space<hbm>>
    tpu.enqueue_dma source(%dma_start3A_20 : memref<1568xf32, #tpu.memory_space<hbm>>) target(%arg19 : memref<1568xf32, #tpu.memory_space<vmem>>) target_semaphore(%arg26 : memref<!tpu.dma_semaphore, #tpu.memory_space<semaphore_mem>>)
    %dma_start3A_21 = tpu.memref_slice %arg9[%min3A_3] : memref<50000xf32, #tpu.memory_space<hbm>> -> memref<1568xf32, #tpu.memory_space<hbm>>
    %dma_start3A_22 = tpu.memref_slice %arg9[%min3A_3] : memref<50000xf32, #tpu.memory_space<hbm>> -> memref<1568xf32, #tpu.memory_space<hbm>>
    tpu.enqueue_dma source(%dma_start3A_22 : memref<1568xf32, #tpu.memory_space<hbm>>) target(%arg20 : memref<1568xf32, #tpu.memory_space<vmem>>) target_semaphore(%arg26 : memref<!tpu.dma_semaphore, #tpu.memory_space<semaphore_mem>>)
    %dma_start3A_23 = tpu.memref_slice %arg10[%min3A_3] : memref<50000xf32, #tpu.memory_space<hbm>> -> memref<1568xf32, #tpu.memory_space<hbm>>
    %dma_start3A_24 = tpu.memref_slice %arg10[%min3A_3] : memref<50000xf32, #tpu.memory_space<hbm>> -> memref<1568xf32, #tpu.memory_space<hbm>>
    tpu.enqueue_dma source(%dma_start3A_24 : memref<1568xf32, #tpu.memory_space<hbm>>) target(%arg21 : memref<1568xf32, #tpu.memory_space<vmem>>) target_semaphore(%arg26 : memref<!tpu.dma_semaphore, #tpu.memory_space<semaphore_mem>>)
    %iota3A = tpu.iota {dimensions = array<i32: 0>} : vector<16xi32>
    %add3A_25 = arith.constant 0 : i32
    %add3A_26 = vector.broadcast %add3A_25 : i32 to vector<16xi32>
    %add3A_27 = arith.addi %iota3A, %add3A_26 : vector<16xi32>
    %swap3A = arith.constant 0 : index
    %swap3A_28 = tpu.vector_load %arg24[%swap3A] {strides = array<i32>} : memref<128xi32, #tpu.memory_space<vmem>>, vector<16xi32>,
    tpu.vector_store %arg24[%swap3A], %add3A_27 {strides = array<i32>} : memref<128xi32, #tpu.memory_space<vmem>>, vector<16xi32>,
    %add3A_29 = arith.constant 128 : i32
    %add3A_30 = vector.broadcast %add3A_29 : i32 to vector<16xi32>
    %add3A_31 = arith.addi %iota3A, %add3A_30 : vector<16xi32>
    %swap3A_32 = arith.constant 0 : index
    %swap3A_33 = tpu.vector_load %arg25[%swap3A_32] {strides = array<i32>} : memref<128xi32, #tpu.memory_space<vmem>>, vector<16xi32>,
    tpu.vector_store %arg25[%swap3A_32], %add3A_31 {strides = array<i32>} : memref<128xi32, #tpu.memory_space<vmem>>, vector<16xi32>,
    %iota3A_34 = tpu.iota {dimensions = array<i32: 0>} : vector<16xi32>
    %add3A_35 = arith.constant 16 : i32
    %add3A_36 = vector.broadcast %add3A_35 : i32 to vector<16xi32>
    %add3A_37 = arith.addi %iota3A_34, %add3A_36 : vector<16xi32>
    %swap3A_38 = arith.constant 16 : index
    %swap3A_39 = tpu.vector_load %arg24[%swap3A_38] {strides = array<i32>} : memref<128xi32, #tpu.memory_space<vmem>>, vector<16xi32>,
    tpu.vector_store %arg24[%swap3A_38], %add3A_37 {strides = array<i32>} : memref<128xi32, #tpu.memory_space<vmem>>, vector<16xi32>,
    %add3A_40 = arith.constant 144 : i32
    %add3A_41 = vector.broadcast %add3A_40 : i32 to vector<16xi32>
    %add3A_42 = arith.addi %iota3A_34, %add3A_41 : vector<16xi32>
    %swap3A_43 = arith.constant 16 : index
    %swap3A_44 = tpu.vector_load %arg25[%swap3A_43] {strides = array<i32>} : memref<128xi32, #tpu.memory_space<vmem>>, vector<16xi32>,
    tpu.vector_store %arg25[%swap3A_43], %add3A_42 {strides = array<i32>} : memref<128xi32, #tpu.memory_space<vmem>>, vector<16xi32>,
    %iota3A_45 = tpu.iota {dimensions = array<i32: 0>} : vector<16xi32>
    %add3A_46 = arith.constant 32 : i32
    %add3A_47 = vector.broadcast %add3A_46 : i32 to vector<16xi32>
    %add3A_48 = arith.addi %iota3A_45, %add3A_47 : vector<16xi32>
    %swap3A_49 = arith.constant 32 : index
    %swap3A_50 = tpu.vector_load %arg24[%swap3A_49] {strides = array<i32>} : memref<128xi32, #tpu.memory_space<vmem>>, vector<16xi32>,
    tpu.vector_store %arg24[%swap3A_49], %add3A_48 {strides = array<i32>} : memref<128xi32, #tpu.memory_space<vmem>>, vector<16xi32>,
    %add3A_51 = arith.constant 160 : i32
    %add3A_52 = vector.broadcast %add3A_51 : i32 to vector<16xi32>
    %add3A_53 = arith.addi %iota3A_45, %add3A_52 : vector<16xi32>
    %swap3A_54 = arith.constant 32 : index
    %swap3A_55 = tpu.vector_load %arg25[%swap3A_54] {strides = array<i32>} : memref<128xi32, #tpu.memory_space<vmem>>, vector<16xi32>,
    tpu.vector_store %arg25[%swap3A_54], %add3A_53 {strides = array<i32>} : memref<128xi32, #tpu.memory_space<vmem>>, vector<16xi32>,
    %iota3A_56 = tpu.iota {dimensions = array<i32: 0>} : vector<16xi32>
    %add3A_57 = arith.constant 48 : i32
    %add3A_58 = vector.broadcast %add3A_57 : i32 to vector<16xi32>
    %add3A_59 = arith.addi %iota3A_56, %add3A_58 : vector<16xi32>
    %swap3A_60 = arith.constant 48 : index
    %swap3A_61 = tpu.vector_load %arg24[%swap3A_60] {strides = array<i32>} : memref<128xi32, #tpu.memory_space<vmem>>, vector<16xi32>,
    tpu.vector_store %arg24[%swap3A_60], %add3A_59 {strides = array<i32>} : memref<128xi32, #tpu.memory_space<vmem>>, vector<16xi32>,
    %add3A_62 = arith.constant 176 : i32
    %add3A_63 = vector.broadcast %add3A_62 : i32 to vector<16xi32>
    %add3A_64 = arith.addi %iota3A_56, %add3A_63 : vector<16xi32>
    %swap3A_65 = arith.constant 48 : index
    %swap3A_66 = tpu.vector_load %arg25[%swap3A_65] {strides = array<i32>} : memref<128xi32, #tpu.memory_space<vmem>>, vector<16xi32>,
    tpu.vector_store %arg25[%swap3A_65], %add3A_64 {strides = array<i32>} : memref<128xi32, #tpu.memory_space<vmem>>, vector<16xi32>,
    %iota3A_67 = tpu.iota {dimensions = array<i32: 0>} : vector<16xi32>
    %add3A_68 = arith.constant 64 : i32
    %add3A_69 = vector.broadcast %add3A_68 : i32 to vector<16xi32>
    %add3A_70 = arith.addi %iota3A_67, %add3A_69 : vector<16xi32>
    %swap3A_71 = arith.constant 64 : index
    %swap3A_72 = tpu.vector_load %arg24[%swap3A_71] {strides = array<i32>} : memref<128xi32, #tpu.memory_space<vmem>>, vector<16xi32>,
    tpu.vector_store %arg24[%swap3A_71], %add3A_70 {strides = array<i32>} : memref<128xi32, #tpu.memory_space<vmem>>, vector<16xi32>,
    %add3A_73 = arith.constant 192 : i32
    %add3A_74 = vector.broadcast %add3A_73 : i32 to vector<16xi32>
    %add3A_75 = arith.addi %iota3A_67, %add3A_74 : vector<16xi32>
    %swap3A_76 = arith.constant 64 : index
    %swap3A_77 = tpu.vector_load %arg25[%swap3A_76] {strides = array<i32>} : memref<128xi32, #tpu.memory_space<vmem>>, vector<16xi32>,
    tpu.vector_store %arg25[%swap3A_76], %add3A_75 {strides = array<i32>} : memref<128xi32, #tpu.memory_space<vmem>>, vector<16xi32>,
    %iota3A_78 = tpu.iota {dimensions = array<i32: 0>} : vector<16xi32>
    %add3A_79 = arith.constant 80 : i32
    %add3A_80 = vector.broadcast %add3A_79 : i32 to vector<16xi32>
    %add3A_81 = arith.addi %iota3A_78, %add3A_80 : vector<16xi32>
    %swap3A_82 = arith.constant 80 : index
    %swap3A_83 = tpu.vector_load %arg24[%swap3A_82] {strides = array<i32>} : memref<128xi32, #tpu.memory_space<vmem>>, vector<16xi32>,
    tpu.vector_store %arg24[%swap3A_82], %add3A_81 {strides = array<i32>} : memref<128xi32, #tpu.memory_space<vmem>>, vector<16xi32>,
    %add3A_84 = arith.constant 208 : i32
    %add3A_85 = vector.broadcast %add3A_84 : i32 to vector<16xi32>
    %add3A_86 = arith.addi %iota3A_78, %add3A_85 : vector<16xi32>
    %swap3A_87 = arith.constant 80 : index
    %swap3A_88 = tpu.vector_load %arg25[%swap3A_87] {strides = array<i32>} : memref<128xi32, #tpu.memory_space<vmem>>, vector<16xi32>,
    tpu.vector_store %arg25[%swap3A_87], %add3A_86 {strides = array<i32>} : memref<128xi32, #tpu.memory_space<vmem>>, vector<16xi32>,
    %iota3A_89 = tpu.iota {dimensions = array<i32: 0>} : vector<16xi32>
    %add3A_90 = arith.constant 96 : i32
    %add3A_91 = vector.broadcast %add3A_90 : i32 to vector<16xi32>
    %add3A_92 = arith.addi %iota3A_89, %add3A_91 : vector<16xi32>
    %swap3A_93 = arith.constant 96 : index
    %swap3A_94 = tpu.vector_load %arg24[%swap3A_93] {strides = array<i32>} : memref<128xi32, #tpu.memory_space<vmem>>, vector<16xi32>,
    tpu.vector_store %arg24[%swap3A_93], %add3A_92 {strides = array<i32>} : memref<128xi32, #tpu.memory_space<vmem>>, vector<16xi32>,
    %add3A_95 = arith.constant 224 : i32
    %add3A_96 = vector.broadcast %add3A_95 : i32 to vector<16xi32>
    %add3A_97 = arith.addi %iota3A_89, %add3A_96 : vector<16xi32>
    %swap3A_98 = arith.constant 96 : index
    %swap3A_99 = tpu.vector_load %arg25[%swap3A_98] {strides = array<i32>} : memref<128xi32, #tpu.memory_space<vmem>>, vector<16xi32>,
    tpu.vector_store %arg25[%swap3A_98], %add3A_97 {strides = array<i32>} : memref<128xi32, #tpu.memory_space<vmem>>, vector<16xi32>,
    %iota3A_100 = tpu.iota {dimensions = array<i32: 0>} : vector<16xi32>
    %add3A_101 = arith.constant 112 : i32
    %add3A_102 = vector.broadcast %add3A_101 : i32 to vector<16xi32>
    %add3A_103 = arith.addi %iota3A_100, %add3A_102 : vector<16xi32>
    %swap3A_104 = arith.constant 112 : index
    %swap3A_105 = tpu.vector_load %arg24[%swap3A_104] {strides = array<i32>} : memref<128xi32, #tpu.memory_space<vmem>>, vector<16xi32>,
    tpu.vector_store %arg24[%swap3A_104], %add3A_103 {strides = array<i32>} : memref<128xi32, #tpu.memory_space<vmem>>, vector<16xi32>,
    %add3A_106 = arith.constant 240 : i32
    %add3A_107 = vector.broadcast %add3A_106 : i32 to vector<16xi32>
    %add3A_108 = arith.addi %iota3A_100, %add3A_107 : vector<16xi32>
    %swap3A_109 = arith.constant 112 : index
    %swap3A_110 = tpu.vector_load %arg25[%swap3A_109] {strides = array<i32>} : memref<128xi32, #tpu.memory_space<vmem>>, vector<16xi32>,
    tpu.vector_store %arg25[%swap3A_109], %add3A_108 {strides = array<i32>} : memref<128xi32, #tpu.memory_space<vmem>>, vector<16xi32>,
    %broadcast_in_dim3A = arith.constant 0.000000e+00 : f32
    %broadcast_in_dim3A_111 = vector.broadcast %broadcast_in_dim3A : f32 to vector<16xf32>
    %scan3A = arith.constant 0 : i32
    %scan3A_112 = arith.constant 256 : i32
    %scan3A_113 = arith.addi %scan3A, %scan3A_112 : i32
    %scan3A_114 = arith.constant 1 : i32
    scf.for %scan3A_248 = %scan3A to %scan3A_113 step %scan3A_114  : i32 {
      %swap3A_249 = arith.index_cast %scan3A_248 : i32 to index
      %swap3A_250 = arith.constant 0 : index
      %swap3A_251 = tpu.vector_load %arg22[%swap3A_249, %swap3A_250] {strides = array<i32>} : memref<257x256xf32, #tpu.memory_space<vmem>>, vector<16xf32>,
      tpu.vector_store %arg22[%swap3A_249, %swap3A_250], %broadcast_in_dim3A_111 {strides = array<i32>} : memref<257x256xf32, #tpu.memory_space<vmem>>, vector<16xf32>,
      %swap3A_252 = arith.index_cast %scan3A_248 : i32 to index
      %swap3A_253 = arith.constant 16 : index
      %swap3A_254 = tpu.vector_load %arg22[%swap3A_252, %swap3A_253] {strides = array<i32>} : memref<257x256xf32, #tpu.memory_space<vmem>>, vector<16xf32>,
      tpu.vector_store %arg22[%swap3A_252, %swap3A_253], %broadcast_in_dim3A_111 {strides = array<i32>} : memref<257x256xf32, #tpu.memory_space<vmem>>, vector<16xf32>,
      %swap3A_255 = arith.index_cast %scan3A_248 : i32 to index
      %swap3A_256 = arith.constant 32 : index
      %swap3A_257 = tpu.vector_load %arg22[%swap3A_255, %swap3A_256] {strides = array<i32>} : memref<257x256xf32, #tpu.memory_space<vmem>>, vector<16xf32>,
      tpu.vector_store %arg22[%swap3A_255, %swap3A_256], %broadcast_in_dim3A_111 {strides = array<i32>} : memref<257x256xf32, #tpu.memory_space<vmem>>, vector<16xf32>,
      %swap3A_258 = arith.index_cast %scan3A_248 : i32 to index
      %swap3A_259 = arith.constant 48 : index
      %swap3A_260 = tpu.vector_load %arg22[%swap3A_258, %swap3A_259] {strides = array<i32>} : memref<257x256xf32, #tpu.memory_space<vmem>>, vector<16xf32>,
      tpu.vector_store %arg22[%swap3A_258, %swap3A_259], %broadcast_in_dim3A_111 {strides = array<i32>} : memref<257x256xf32, #tpu.memory_space<vmem>>, vector<16xf32>,
      %swap3A_261 = arith.index_cast %scan3A_248 : i32 to index
      %swap3A_262 = arith.constant 64 : index
      %swap3A_263 = tpu.vector_load %arg22[%swap3A_261, %swap3A_262] {strides = array<i32>} : memref<257x256xf32, #tpu.memory_space<vmem>>, vector<16xf32>,
      tpu.vector_store %arg22[%swap3A_261, %swap3A_262], %broadcast_in_dim3A_111 {strides = array<i32>} : memref<257x256xf32, #tpu.memory_space<vmem>>, vector<16xf32>,
      %swap3A_264 = arith.index_cast %scan3A_248 : i32 to index
      %swap3A_265 = arith.constant 80 : index
      %swap3A_266 = tpu.vector_load %arg22[%swap3A_264, %swap3A_265] {strides = array<i32>} : memref<257x256xf32, #tpu.memory_space<vmem>>, vector<16xf32>,
      tpu.vector_store %arg22[%swap3A_264, %swap3A_265], %broadcast_in_dim3A_111 {strides = array<i32>} : memref<257x256xf32, #tpu.memory_space<vmem>>, vector<16xf32>,
      %swap3A_267 = arith.index_cast %scan3A_248 : i32 to index
      %swap3A_268 = arith.constant 96 : index
      %swap3A_269 = tpu.vector_load %arg22[%swap3A_267, %swap3A_268] {strides = array<i32>} : memref<257x256xf32, #tpu.memory_space<vmem>>, vector<16xf32>,
      tpu.vector_store %arg22[%swap3A_267, %swap3A_268], %broadcast_in_dim3A_111 {strides = array<i32>} : memref<257x256xf32, #tpu.memory_space<vmem>>, vector<16xf32>,
      %swap3A_270 = arith.index_cast %scan3A_248 : i32 to index
      %swap3A_271 = arith.constant 112 : index
      %swap3A_272 = tpu.vector_load %arg22[%swap3A_270, %swap3A_271] {strides = array<i32>} : memref<257x256xf32, #tpu.memory_space<vmem>>, vector<16xf32>,
      tpu.vector_store %arg22[%swap3A_270, %swap3A_271], %broadcast_in_dim3A_111 {strides = array<i32>} : memref<257x256xf32, #tpu.memory_space<vmem>>, vector<16xf32>,
      %swap3A_273 = arith.index_cast %scan3A_248 : i32 to index
      %swap3A_274 = arith.constant 128 : index
      %swap3A_275 = tpu.vector_load %arg22[%swap3A_273, %swap3A_274] {strides = array<i32>} : memref<257x256xf32, #tpu.memory_space<vmem>>, vector<16xf32>,
      tpu.vector_store %arg22[%swap3A_273, %swap3A_274], %broadcast_in_dim3A_111 {strides = array<i32>} : memref<257x256xf32, #tpu.memory_space<vmem>>, vector<16xf32>,
      %swap3A_276 = arith.index_cast %scan3A_248 : i32 to index
      %swap3A_277 = arith.constant 144 : index
      %swap3A_278 = tpu.vector_load %arg22[%swap3A_276, %swap3A_277] {strides = array<i32>} : memref<257x256xf32, #tpu.memory_space<vmem>>, vector<16xf32>,
      tpu.vector_store %arg22[%swap3A_276, %swap3A_277], %broadcast_in_dim3A_111 {strides = array<i32>} : memref<257x256xf32, #tpu.memory_space<vmem>>, vector<16xf32>,
      %swap3A_279 = arith.index_cast %scan3A_248 : i32 to index
      %swap3A_280 = arith.constant 160 : index
      %swap3A_281 = tpu.vector_load %arg22[%swap3A_279, %swap3A_280] {strides = array<i32>} : memref<257x256xf32, #tpu.memory_space<vmem>>, vector<16xf32>,
      tpu.vector_store %arg22[%swap3A_279, %swap3A_280], %broadcast_in_dim3A_111 {strides = array<i32>} : memref<257x256xf32, #tpu.memory_space<vmem>>, vector<16xf32>,
      %swap3A_282 = arith.index_cast %scan3A_248 : i32 to index
      %swap3A_283 = arith.constant 176 : index
      %swap3A_284 = tpu.vector_load %arg22[%swap3A_282, %swap3A_283] {strides = array<i32>} : memref<257x256xf32, #tpu.memory_space<vmem>>, vector<16xf32>,
      tpu.vector_store %arg22[%swap3A_282, %swap3A_283], %broadcast_in_dim3A_111 {strides = array<i32>} : memref<257x256xf32, #tpu.memory_space<vmem>>, vector<16xf32>,
      %swap3A_285 = arith.index_cast %scan3A_248 : i32 to index
      %swap3A_286 = arith.constant 192 : index
      %swap3A_287 = tpu.vector_load %arg22[%swap3A_285, %swap3A_286] {strides = array<i32>} : memref<257x256xf32, #tpu.memory_space<vmem>>, vector<16xf32>,
      tpu.vector_store %arg22[%swap3A_285, %swap3A_286], %broadcast_in_dim3A_111 {strides = array<i32>} : memref<257x256xf32, #tpu.memory_space<vmem>>, vector<16xf32>,
      %swap3A_288 = arith.index_cast %scan3A_248 : i32 to index
      %swap3A_289 = arith.constant 208 : index
      %swap3A_290 = tpu.vector_load %arg22[%swap3A_288, %swap3A_289] {strides = array<i32>} : memref<257x256xf32, #tpu.memory_space<vmem>>, vector<16xf32>,
      tpu.vector_store %arg22[%swap3A_288, %swap3A_289], %broadcast_in_dim3A_111 {strides = array<i32>} : memref<257x256xf32, #tpu.memory_space<vmem>>, vector<16xf32>,
      %swap3A_291 = arith.index_cast %scan3A_248 : i32 to index
      %swap3A_292 = arith.constant 224 : index
      %swap3A_293 = tpu.vector_load %arg22[%swap3A_291, %swap3A_292] {strides = array<i32>} : memref<257x256xf32, #tpu.memory_space<vmem>>, vector<16xf32>,
      tpu.vector_store %arg22[%swap3A_291, %swap3A_292], %broadcast_in_dim3A_111 {strides = array<i32>} : memref<257x256xf32, #tpu.memory_space<vmem>>, vector<16xf32>,
      %swap3A_294 = arith.index_cast %scan3A_248 : i32 to index
      %swap3A_295 = arith.constant 240 : index
      %swap3A_296 = tpu.vector_load %arg22[%swap3A_294, %swap3A_295] {strides = array<i32>} : memref<257x256xf32, #tpu.memory_space<vmem>>, vector<16xf32>,
      tpu.vector_store %arg22[%swap3A_294, %swap3A_295], %broadcast_in_dim3A_111 {strides = array<i32>} : memref<257x256xf32, #tpu.memory_space<vmem>>, vector<16xf32>,
    }
    %scan3A_115 = arith.constant 256 : i32
    %eq3A = arith.constant 0 : i32
    %eq3A_116 = arith.cmpi eq, %arg1, %eq3A : i32
    %convert_element_type3A = arith.extui %eq3A_116 : i1 to i32
    %cond3A = arith.constant 0 : i32
    %cond3A_117 = arith.cmpi ne, %convert_element_type3A, %cond3A : i32
    scf.if %cond3A_117 {
      "tpu.region"() ({
        %run_scoped3A = tpu.sem_alloc : memref<!tpu.dma_semaphore, #tpu.memory_space<semaphore_mem>>
        %dma_start3A_248 = arith.constant 0 : i32
        %dma_start3A_249 = arith.constant 0 : i32
        %dma_start3A_250 = tpu.memref_slice %arg22[%dma_start3A_248, %dma_start3A_249] : memref<257x256xf32, #tpu.memory_space<vmem>> -> memref<256x256xf32, #tpu.memory_space<vmem>>
        %dma_start3A_251 = arith.constant 0 : i32
        %dma_start3A_252 = arith.constant 0 : i32
        %dma_start3A_253 = tpu.memref_slice %arg22[%dma_start3A_251, %dma_start3A_252] : memref<257x256xf32, #tpu.memory_space<vmem>> -> memref<256x256xf32, #tpu.memory_space<vmem>>
        tpu.enqueue_dma source(%dma_start3A_253 : memref<256x256xf32, #tpu.memory_space<vmem>>) target(%arg23 : memref<256x256xf32, #tpu.memory_space<vmem_shared>>) target_semaphore(%run_scoped3A : memref<!tpu.dma_semaphore, #tpu.memory_space<semaphore_mem>>)
        %dma_wait3A_254 = arith.constant 0 : i32
        %dma_wait3A_255 = arith.constant 0 : i32
        %dma_wait3A_256 = tpu.memref_slice %arg22[%dma_wait3A_254, %dma_wait3A_255] : memref<257x256xf32, #tpu.memory_space<vmem>> -> memref<256x256xf32, #tpu.memory_space<vmem>>
        %dma_wait3A_257 = arith.constant 0 : i32
        %dma_wait3A_258 = arith.constant 0 : i32
        %dma_wait3A_259 = tpu.memref_slice %arg22[%dma_wait3A_257, %dma_wait3A_258] : memref<257x256xf32, #tpu.memory_space<vmem>> -> memref<256x256xf32, #tpu.memory_space<vmem>>
        tpu.wait_dma2 semaphore(%run_scoped3A : memref<!tpu.dma_semaphore, #tpu.memory_space<semaphore_mem>>) src(%dma_wait3A_259 : memref<256x256xf32, #tpu.memory_space<vmem>>) dst(%arg23 : memref<256x256xf32, #tpu.memory_space<vmem_shared>>)
        tpu.yield
      }) : () -> ()
    } else {
    }
    %dma_wait3A = tpu.memref_slice %arg2[%min3A_3] : memref<100000xf32, #tpu.memory_space<hbm>> -> memref<1568xf32, #tpu.memory_space<hbm>>
    %dma_wait3A_118 = tpu.memref_slice %arg2[%min3A_3] : memref<100000xf32, #tpu.memory_space<hbm>> -> memref<1568xf32, #tpu.memory_space<hbm>>
    tpu.wait_dma2 semaphore(%arg26 : memref<!tpu.dma_semaphore, #tpu.memory_space<semaphore_mem>>) src(%dma_wait3A_118 : memref<1568xf32, #tpu.memory_space<hbm>>) dst(%arg12 : memref<1568xf32, #tpu.memory_space<vmem>>)
    %dma_wait3A_119 = tpu.memref_slice %arg2[%add3A_6] : memref<100000xf32, #tpu.memory_space<hbm>> -> memref<1568xf32, #tpu.memory_space<hbm>>
    %dma_wait3A_120 = tpu.memref_slice %arg2[%add3A_6] : memref<100000xf32, #tpu.memory_space<hbm>> -> memref<1568xf32, #tpu.memory_space<hbm>>
    tpu.wait_dma2 semaphore(%arg26 : memref<!tpu.dma_semaphore, #tpu.memory_space<semaphore_mem>>) src(%dma_wait3A_120 : memref<1568xf32, #tpu.memory_space<hbm>>) dst(%arg13 : memref<1568xf32, #tpu.memory_space<vmem>>)
    %dma_wait3A_121 = tpu.memref_slice %arg3[%min3A_3] : memref<50000xf32, #tpu.memory_space<hbm>> -> memref<1568xf32, #tpu.memory_space<hbm>>
    %dma_wait3A_122 = tpu.memref_slice %arg3[%min3A_3] : memref<50000xf32, #tpu.memory_space<hbm>> -> memref<1568xf32, #tpu.memory_space<hbm>>
    tpu.wait_dma2 semaphore(%arg26 : memref<!tpu.dma_semaphore, #tpu.memory_space<semaphore_mem>>) src(%dma_wait3A_122 : memref<1568xf32, #tpu.memory_space<hbm>>) dst(%arg14 : memref<1568xf32, #tpu.memory_space<vmem>>)
    %dma_wait3A_123 = tpu.memref_slice %arg4[%min3A_3] : memref<50000xf32, #tpu.memory_space<hbm>> -> memref<1568xf32, #tpu.memory_space<hbm>>
    %dma_wait3A_124 = tpu.memref_slice %arg4[%min3A_3] : memref<50000xf32, #tpu.memory_space<hbm>> -> memref<1568xf32, #tpu.memory_space<hbm>>
    tpu.wait_dma2 semaphore(%arg26 : memref<!tpu.dma_semaphore, #tpu.memory_space<semaphore_mem>>) src(%dma_wait3A_124 : memref<1568xf32, #tpu.memory_space<hbm>>) dst(%arg15 : memref<1568xf32, #tpu.memory_space<vmem>>)
    %dma_wait3A_125 = tpu.memref_slice %arg5[%min3A_3] : memref<50000xf32, #tpu.memory_space<hbm>> -> memref<1568xf32, #tpu.memory_space<hbm>>
    %dma_wait3A_126 = tpu.memref_slice %arg5[%min3A_3] : memref<50000xf32, #tpu.memory_space<hbm>> -> memref<1568xf32, #tpu.memory_space<hbm>>
    tpu.wait_dma2 semaphore(%arg26 : memref<!tpu.dma_semaphore, #tpu.memory_space<semaphore_mem>>) src(%dma_wait3A_126 : memref<1568xf32, #tpu.memory_space<hbm>>) dst(%arg16 : memref<1568xf32, #tpu.memory_space<vmem>>)
    %dma_wait3A_127 = tpu.memref_slice %arg6[%min3A_3] : memref<50000xf32, #tpu.memory_space<hbm>> -> memref<1568xf32, #tpu.memory_space<hbm>>
    %dma_wait3A_128 = tpu.memref_slice %arg6[%min3A_3] : memref<50000xf32, #tpu.memory_space<hbm>> -> memref<1568xf32, #tpu.memory_space<hbm>>
    tpu.wait_dma2 semaphore(%arg26 : memref<!tpu.dma_semaphore, #tpu.memory_space<semaphore_mem>>) src(%dma_wait3A_128 : memref<1568xf32, #tpu.memory_space<hbm>>) dst(%arg17 : memref<1568xf32, #tpu.memory_space<vmem>>)
    %dma_wait3A_129 = tpu.memref_slice %arg7[%min3A_3] : memref<50000xf32, #tpu.memory_space<hbm>> -> memref<1568xf32, #tpu.memory_space<hbm>>
    %dma_wait3A_130 = tpu.memref_slice %arg7[%min3A_3] : memref<50000xf32, #tpu.memory_space<hbm>> -> memref<1568xf32, #tpu.memory_space<hbm>>
    tpu.wait_dma2 semaphore(%arg26 : memref<!tpu.dma_semaphore, #tpu.memory_space<semaphore_mem>>) src(%dma_wait3A_130 : memref<1568xf32, #tpu.memory_space<hbm>>) dst(%arg18 : memref<1568xf32, #tpu.memory_space<vmem>>)
    %dma_wait3A_131 = tpu.memref_slice %arg8[%min3A_3] : memref<50000xf32, #tpu.memory_space<hbm>> -> memref<1568xf32, #tpu.memory_space<hbm>>
    %dma_wait3A_132 = tpu.memref_slice %arg8[%min3A_3] : memref<50000xf32, #tpu.memory_space<hbm>> -> memref<1568xf32, #tpu.memory_space<hbm>>
    tpu.wait_dma2 semaphore(%arg26 : memref<!tpu.dma_semaphore, #tpu.memory_space<semaphore_mem>>) src(%dma_wait3A_132 : memref<1568xf32, #tpu.memory_space<hbm>>) dst(%arg19 : memref<1568xf32, #tpu.memory_space<vmem>>)
    %dma_wait3A_133 = tpu.memref_slice %arg9[%min3A_3] : memref<50000xf32, #tpu.memory_space<hbm>> -> memref<1568xf32, #tpu.memory_space<hbm>>
    %dma_wait3A_134 = tpu.memref_slice %arg9[%min3A_3] : memref<50000xf32, #tpu.memory_space<hbm>> -> memref<1568xf32, #tpu.memory_space<hbm>>
    tpu.wait_dma2 semaphore(%arg26 : memref<!tpu.dma_semaphore, #tpu.memory_space<semaphore_mem>>) src(%dma_wait3A_134 : memref<1568xf32, #tpu.memory_space<hbm>>) dst(%arg20 : memref<1568xf32, #tpu.memory_space<vmem>>)
    %dma_wait3A_135 = tpu.memref_slice %arg10[%min3A_3] : memref<50000xf32, #tpu.memory_space<hbm>> -> memref<1568xf32, #tpu.memory_space<hbm>>
    %dma_wait3A_136 = tpu.memref_slice %arg10[%min3A_3] : memref<50000xf32, #tpu.memory_space<hbm>> -> memref<1568xf32, #tpu.memory_space<hbm>>
    tpu.wait_dma2 semaphore(%arg26 : memref<!tpu.dma_semaphore, #tpu.memory_space<semaphore_mem>>) src(%dma_wait3A_136 : memref<1568xf32, #tpu.memory_space<hbm>>) dst(%arg21 : memref<1568xf32, #tpu.memory_space<vmem>>)
    %broadcast_in_dim3A_137 = arith.constant 0.000000e+00 : f32
    %broadcast_in_dim3A_138 = vector.broadcast %broadcast_in_dim3A_137 : f32 to vector<16xf32>
    %ne3A = arith.cmpi ne, %mul3A_2, %min3A_3 : i32
    %convert_element_type3A_139 = arith.extui %ne3A : i1 to i32
    %cond3A_140 = arith.constant 0 : i32
    %cond3A_141 = arith.cmpi ne, %convert_element_type3A_139, %cond3A_140 : i32
    scf.if %cond3A_141 {
      %swap3A_248 = arith.constant 0 : index
      %swap3A_249 = tpu.vector_load %arg18[%swap3A_248] {strides = array<i32>} : memref<1568xf32, #tpu.memory_space<vmem>>, vector<16xf32>,
      tpu.vector_store %arg18[%swap3A_248], %broadcast_in_dim3A_138 {strides = array<i32>} : memref<1568xf32, #tpu.memory_space<vmem>>, vector<16xf32>,
      %swap3A_250 = arith.constant 16 : index
      %swap3A_251 = tpu.vector_load %arg18[%swap3A_250] {strides = array<i32>} : memref<1568xf32, #tpu.memory_space<vmem>>, vector<16xf32>,
      tpu.vector_store %arg18[%swap3A_250], %broadcast_in_dim3A_138 {strides = array<i32>} : memref<1568xf32, #tpu.memory_space<vmem>>, vector<16xf32>,
      %swap3A_252 = arith.constant 32 : index
      %swap3A_253 = tpu.vector_load %arg18[%swap3A_252] {strides = array<i32>} : memref<1568xf32, #tpu.memory_space<vmem>>, vector<16xf32>,
      tpu.vector_store %arg18[%swap3A_252], %broadcast_in_dim3A_138 {strides = array<i32>} : memref<1568xf32, #tpu.memory_space<vmem>>, vector<16xf32>,
      %swap3A_254 = arith.constant 48 : index
      %swap3A_255 = tpu.vector_load %arg18[%swap3A_254] {strides = array<i32>} : memref<1568xf32, #tpu.memory_space<vmem>>, vector<16xf32>,
      tpu.vector_store %arg18[%swap3A_254], %broadcast_in_dim3A_138 {strides = array<i32>} : memref<1568xf32, #tpu.memory_space<vmem>>, vector<16xf32>,
      %swap3A_256 = arith.constant 64 : index
      %swap3A_257 = tpu.vector_load %arg18[%swap3A_256] {strides = array<i32>} : memref<1568xf32, #tpu.memory_space<vmem>>, vector<16xf32>,
      tpu.vector_store %arg18[%swap3A_256], %broadcast_in_dim3A_138 {strides = array<i32>} : memref<1568xf32, #tpu.memory_space<vmem>>, vector<16xf32>,
      %swap3A_258 = arith.constant 80 : index
      %swap3A_259 = tpu.vector_load %arg18[%swap3A_258] {strides = array<i32>} : memref<1568xf32, #tpu.memory_space<vmem>>, vector<16xf32>,
      tpu.vector_store %arg18[%swap3A_258], %broadcast_in_dim3A_138 {strides = array<i32>} : memref<1568xf32, #tpu.memory_space<vmem>>, vector<16xf32>,
      %swap3A_260 = arith.constant 96 : index
      %swap3A_261 = tpu.vector_load %arg18[%swap3A_260] {strides = array<i32>} : memref<1568xf32, #tpu.memory_space<vmem>>, vector<16xf32>,
      tpu.vector_store %arg18[%swap3A_260], %broadcast_in_dim3A_138 {strides = array<i32>} : memref<1568xf32, #tpu.memory_space<vmem>>, vector<16xf32>,
      %swap3A_262 = arith.constant 112 : index
      %swap3A_263 = tpu.vector_load %arg18[%swap3A_262] {strides = array<i32>} : memref<1568xf32, #tpu.memory_space<vmem>>, vector<16xf32>,
      tpu.vector_store %arg18[%swap3A_262], %broadcast_in_dim3A_138 {strides = array<i32>} : memref<1568xf32, #tpu.memory_space<vmem>>, vector<16xf32>,
      %swap3A_264 = arith.constant 128 : index
      %swap3A_265 = tpu.vector_load %arg18[%swap3A_264] {strides = array<i32>} : memref<1568xf32, #tpu.memory_space<vmem>>, vector<16xf32>,
      tpu.vector_store %arg18[%swap3A_264], %broadcast_in_dim3A_138 {strides = array<i32>} : memref<1568xf32, #tpu.memory_space<vmem>>, vector<16xf32>,
      %swap3A_266 = arith.constant 144 : index
      %swap3A_267 = tpu.vector_load %arg18[%swap3A_266] {strides = array<i32>} : memref<1568xf32, #tpu.memory_space<vmem>>, vector<16xf32>,
      tpu.vector_store %arg18[%swap3A_266], %broadcast_in_dim3A_138 {strides = array<i32>} : memref<1568xf32, #tpu.memory_space<vmem>>, vector<16xf32>,
      %swap3A_268 = arith.constant 160 : index
      %swap3A_269 = tpu.vector_load %arg18[%swap3A_268] {strides = array<i32>} : memref<1568xf32, #tpu.memory_space<vmem>>, vector<16xf32>,
      tpu.vector_store %arg18[%swap3A_268], %broadcast_in_dim3A_138 {strides = array<i32>} : memref<1568xf32, #tpu.memory_space<vmem>>, vector<16xf32>,
    } else {
    }
    %iota3A_142 = tpu.iota {dimensions = array<i32: 0>} : vector<16xi32>
    %mul3A_143 = arith.constant 0 : i32
    %mul3A_144 = vector.broadcast %mul3A_143 : i32 to vector<16xi32>
    %mul3A_145 = arith.muli %iota3A_142, %mul3A_144 : vector<16xi32>
    %scan3A_146 = arith.constant 0 : i32
    %scan3A_147 = arith.constant 98 : i32
    %scan3A_148 = arith.addi %scan3A_146, %scan3A_147 : i32
    %scan3A_149 = arith.constant 1 : i32
    scf.for %scan3A_248 = %scan3A_146 to %scan3A_148 step %scan3A_149  : i32 {
      %mul3A_249 = arith.constant 16 : i32
      %mul3A_250 = arith.muli %scan3A_248, %mul3A_249 : i32
      %get3A = arith.index_cast %mul3A_250 : i32 to index
      %get3A_251 = tpu.vector_load %arg14[%get3A] {strides = array<i32>} : memref<1568xf32, #tpu.memory_space<vmem>>, vector<16xf32>,
      %mul3A_252 = arith.constant 5.000000e-01 : f32
      %mul3A_253 = vector.broadcast %mul3A_252 : f32 to vector<16xf32>
      %mul3A_254 = arith.mulf %get3A_251, %mul3A_253 : vector<16xf32>
      %get3A_255 = arith.index_cast %mul3A_250 : i32 to index
      %get3A_256 = tpu.vector_load %arg12[%get3A_255] {strides = array<i32>} : memref<1568xf32, #tpu.memory_space<vmem>>, vector<16xf32>,
      %add3A_257 = arith.addf %get3A_256, %mul3A_254 : vector<16xf32>
      %add3A_258 = arith.constant 2.000000e+00 : f32
      %add3A_259 = vector.broadcast %add3A_258 : f32 to vector<16xf32>
      %add3A_260 = arith.addf %mul3A_254, %add3A_259 : vector<16xf32>
      %add3A_261 = arith.constant 4.000000e+00 : f32
      %add3A_262 = vector.broadcast %add3A_261 : f32 to vector<16xf32>
      %add3A_263 = arith.addf %mul3A_254, %add3A_262 : vector<16xf32>
      %get3A_264 = arith.index_cast %mul3A_250 : i32 to index
      %get3A_265 = tpu.vector_load %arg18[%get3A_264] {strides = array<i32>} : memref<1568xf32, #tpu.memory_space<vmem>>, vector<16xf32>,
      %get3A_266 = arith.index_cast %mul3A_250 : i32 to index
      %get3A_267 = tpu.vector_load %arg21[%get3A_266] {strides = array<i32>} : memref<1568xf32, #tpu.memory_space<vmem>>, vector<16xf32>,
      %mul3A_268 = arith.mulf %get3A_265, %get3A_267 : vector<16xf32>
      %get3A_269 = arith.index_cast %mul3A_250 : i32 to index
      %get3A_270 = tpu.vector_load %arg17[%get3A_269] {strides = array<i32>} : memref<1568xf32, #tpu.memory_space<vmem>>, vector<16xf32>,
      %mul3A_271 = arith.mulf %get3A_270, %mul3A_268 : vector<16xf32>
      %get3A_272 = arith.index_cast %mul3A_250 : i32 to index
      %get3A_273 = tpu.vector_load %arg16[%get3A_272] {strides = array<i32>} : memref<1568xf32, #tpu.memory_space<vmem>>, vector<16xf32>,
      %get3A_274 = arith.index_cast %mul3A_250 : i32 to index
      %get3A_275 = tpu.vector_load %arg17[%get3A_274] {strides = array<i32>} : memref<1568xf32, #tpu.memory_space<vmem>>, vector<16xf32>,
      %add3A_276 = arith.addf %get3A_273, %get3A_275 : vector<16xf32>
      %mul3A_277 = arith.mulf %add3A_276, %mul3A_268 : vector<16xf32>
      %sub3A = arith.subf %add3A_257, %add3A_263 : vector<16xf32>
      %mul3A_278 = arith.constant 5.000000e-01 : f32
      %mul3A_279 = vector.broadcast %mul3A_278 : f32 to vector<16xf32>
      %mul3A_280 = arith.mulf %sub3A, %mul3A_279 : vector<16xf32>
      %convert_element_type3A_281 = arith.fptosi %mul3A_280 : vector<16xf32> to vector<16xi32>
      %max3A = arith.constant 0 : i32
      %max3A_282 = vector.broadcast %max3A : i32 to vector<16xi32>
      %max3A_283 = arith.maxsi %convert_element_type3A_281, %max3A_282 : vector<16xi32>
      %mul3A_284 = arith.constant 2 : i32
      %mul3A_285 = vector.broadcast %mul3A_284 : i32 to vector<16xi32>
      %mul3A_286 = arith.muli %mul3A_285, %max3A_283 : vector<16xi32>
      %add3A_287 = arith.constant 1 : i32
      %add3A_288 = vector.broadcast %add3A_287 : i32 to vector<16xi32>
      %add3A_289 = arith.addi %mul3A_286, %add3A_288 : vector<16xi32>
      %convert_element_type3A_290 = arith.sitofp %add3A_289 : vector<16xi32> to vector<16xf32>
      %sub3A_291 = arith.subf %add3A_257, %convert_element_type3A_290 : vector<16xf32>
      %shift_left3A = arith.constant 8 : i32
      %shift_left3A_292 = vector.broadcast %shift_left3A : i32 to vector<16xi32>
      %shift_left3A_293 = arith.shli %max3A_283, %shift_left3A_292 : vector<16xi32>
      %get3A_294 = arith.index_cast %mul3A_250 : i32 to index
      %get3A_295 = tpu.vector_load %arg15[%get3A_294] {strides = array<i32>} : memref<1568xf32, #tpu.memory_space<vmem>>, vector<16xf32>,
      %mul3A_296 = arith.constant 5.000000e-01 : f32
      %mul3A_297 = vector.broadcast %mul3A_296 : f32 to vector<16xf32>
      %mul3A_298 = arith.mulf %get3A_295, %mul3A_297 : vector<16xf32>
      %get3A_299 = arith.index_cast %mul3A_250 : i32 to index
      %get3A_300 = tpu.vector_load %arg13[%get3A_299] {strides = array<i32>} : memref<1568xf32, #tpu.memory_space<vmem>>, vector<16xf32>,
      %add3A_301 = arith.addf %get3A_300, %mul3A_298 : vector<16xf32>
      %add3A_302 = arith.constant 2.000000e+00 : f32
      %add3A_303 = vector.broadcast %add3A_302 : f32 to vector<16xf32>
      %add3A_304 = arith.addf %mul3A_298, %add3A_303 : vector<16xf32>
      %add3A_305 = arith.constant 4.000000e+00 : f32
      %add3A_306 = vector.broadcast %add3A_305 : f32 to vector<16xf32>
      %add3A_307 = arith.addf %mul3A_298, %add3A_306 : vector<16xf32>
      %get3A_308 = arith.index_cast %mul3A_250 : i32 to index
      %get3A_309 = tpu.vector_load %arg19[%get3A_308] {strides = array<i32>} : memref<1568xf32, #tpu.memory_space<vmem>>, vector<16xf32>,
      %get3A_310 = arith.index_cast %mul3A_250 : i32 to index
      %get3A_311 = tpu.vector_load %arg20[%get3A_310] {strides = array<i32>} : memref<1568xf32, #tpu.memory_space<vmem>>, vector<16xf32>,
      %add3A_312 = arith.addf %get3A_309, %get3A_311 : vector<16xf32>
      %get3A_313 = arith.index_cast %mul3A_250 : i32 to index
      %get3A_314 = tpu.vector_load %arg20[%get3A_313] {strides = array<i32>} : memref<1568xf32, #tpu.memory_space<vmem>>, vector<16xf32>,
      %sub3A_315 = arith.subf %add3A_301, %add3A_307 : vector<16xf32>
      %mul3A_316 = arith.constant 5.000000e-01 : f32
      %mul3A_317 = vector.broadcast %mul3A_316 : f32 to vector<16xf32>
      %mul3A_318 = arith.mulf %sub3A_315, %mul3A_317 : vector<16xf32>
      %convert_element_type3A_319 = arith.fptosi %mul3A_318 : vector<16xf32> to vector<16xi32>
      %max3A_320 = arith.constant 0 : i32
      %max3A_321 = vector.broadcast %max3A_320 : i32 to vector<16xi32>
      %max3A_322 = arith.maxsi %convert_element_type3A_319, %max3A_321 : vector<16xi32>
      %mul3A_323 = arith.constant 2 : i32
      %mul3A_324 = vector.broadcast %mul3A_323 : i32 to vector<16xi32>
      %mul3A_325 = arith.muli %mul3A_324, %max3A_322 : vector<16xi32>
      %add3A_326 = arith.constant 1 : i32
      %add3A_327 = vector.broadcast %add3A_326 : i32 to vector<16xi32>
      %add3A_328 = arith.addi %mul3A_325, %add3A_327 : vector<16xi32>
      %convert_element_type3A_329 = arith.sitofp %add3A_328 : vector<16xi32> to vector<16xf32>
      %sub3A_330 = arith.subf %add3A_301, %convert_element_type3A_329 : vector<16xf32>
      %sub3A_331 = arith.constant 0.000000e+00 : f32
      %sub3A_332 = vector.broadcast %sub3A_331 : f32 to vector<16xf32>
      %sub3A_333 = arith.subf %sub3A_291, %sub3A_332 : vector<16xf32>
      %abs3A = math.absf %sub3A_333 : vector<16xf32>
      %min3A_334 = arith.minimumf %abs3A, %add3A_263 : vector<16xf32>
      %sub3A_335 = arith.subf %min3A_334, %add3A_263 : vector<16xf32>
      %min3A_336 = arith.minimumf %abs3A, %add3A_260 : vector<16xf32>
      %sub3A_337 = arith.subf %min3A_336, %add3A_260 : vector<16xf32>
      %mul3A_338 = arith.mulf %sub3A_335, %sub3A_335 : vector<16xf32>
      %mul3A_339 = arith.mulf %mul3A_271, %mul3A_338 : vector<16xf32>
      %mul3A_340 = arith.mulf %sub3A_337, %sub3A_337 : vector<16xf32>
      %mul3A_341 = arith.mulf %mul3A_277, %mul3A_340 : vector<16xf32>
      %sub3A_342 = arith.subf %mul3A_339, %mul3A_341 : vector<16xf32>
      %add3A_343 = arith.constant 0 : i32
      %add3A_344 = vector.broadcast %add3A_343 : i32 to vector<16xi32>
      %add3A_345 = arith.addi %shift_left3A_293, %add3A_344 : vector<16xi32>
      %min3A_346 = arith.constant 65536 : i32
      %min3A_347 = vector.broadcast %min3A_346 : i32 to vector<16xi32>
      %min3A_348 = arith.minsi %add3A_345, %min3A_347 : vector<16xi32>
      %sub3A_349 = arith.constant 2.000000e+00 : f32
      %sub3A_350 = vector.broadcast %sub3A_349 : f32 to vector<16xf32>
      %sub3A_351 = arith.subf %sub3A_291, %sub3A_350 : vector<16xf32>
      %abs3A_352 = math.absf %sub3A_351 : vector<16xf32>
      %min3A_353 = arith.minimumf %abs3A_352, %add3A_263 : vector<16xf32>
      %sub3A_354 = arith.subf %min3A_353, %add3A_263 : vector<16xf32>
      %min3A_355 = arith.minimumf %abs3A_352, %add3A_260 : vector<16xf32>
      %sub3A_356 = arith.subf %min3A_355, %add3A_260 : vector<16xf32>
      %mul3A_357 = arith.mulf %sub3A_354, %sub3A_354 : vector<16xf32>
      %mul3A_358 = arith.mulf %mul3A_271, %mul3A_357 : vector<16xf32>
      %mul3A_359 = arith.mulf %sub3A_356, %sub3A_356 : vector<16xf32>
      %mul3A_360 = arith.mulf %mul3A_277, %mul3A_359 : vector<16xf32>
      %sub3A_361 = arith.subf %mul3A_358, %mul3A_360 : vector<16xf32>
      %add3A_362 = arith.constant 256 : i32
      %add3A_363 = vector.broadcast %add3A_362 : i32 to vector<16xi32>
      %add3A_364 = arith.addi %shift_left3A_293, %add3A_363 : vector<16xi32>
      %min3A_365 = arith.constant 65536 : i32
      %min3A_366 = vector.broadcast %min3A_365 : i32 to vector<16xi32>
      %min3A_367 = arith.minsi %add3A_364, %min3A_366 : vector<16xi32>
      %sub3A_368 = arith.constant 4.000000e+00 : f32
      %sub3A_369 = vector.broadcast %sub3A_368 : f32 to vector<16xf32>
      %sub3A_370 = arith.subf %sub3A_291, %sub3A_369 : vector<16xf32>
      %abs3A_371 = math.absf %sub3A_370 : vector<16xf32>
      %min3A_372 = arith.minimumf %abs3A_371, %add3A_263 : vector<16xf32>
      %sub3A_373 = arith.subf %min3A_372, %add3A_263 : vector<16xf32>
      %min3A_374 = arith.minimumf %abs3A_371, %add3A_260 : vector<16xf32>
      %sub3A_375 = arith.subf %min3A_374, %add3A_260 : vector<16xf32>
      %mul3A_376 = arith.mulf %sub3A_373, %sub3A_373 : vector<16xf32>
      %mul3A_377 = arith.mulf %mul3A_271, %mul3A_376 : vector<16xf32>
      %mul3A_378 = arith.mulf %sub3A_375, %sub3A_375 : vector<16xf32>
      %mul3A_379 = arith.mulf %mul3A_277, %mul3A_378 : vector<16xf32>
      %sub3A_380 = arith.subf %mul3A_377, %mul3A_379 : vector<16xf32>
      %add3A_381 = arith.constant 512 : i32
      %add3A_382 = vector.broadcast %add3A_381 : i32 to vector<16xi32>
      %add3A_383 = arith.addi %shift_left3A_293, %add3A_382 : vector<16xi32>
      %min3A_384 = arith.constant 65536 : i32
      %min3A_385 = vector.broadcast %min3A_384 : i32 to vector<16xi32>
      %min3A_386 = arith.minsi %add3A_383, %min3A_385 : vector<16xi32>
      %sub3A_387 = arith.constant 6.000000e+00 : f32
      %sub3A_388 = vector.broadcast %sub3A_387 : f32 to vector<16xf32>
      %sub3A_389 = arith.subf %sub3A_291, %sub3A_388 : vector<16xf32>
      %abs3A_390 = math.absf %sub3A_389 : vector<16xf32>
      %min3A_391 = arith.minimumf %abs3A_390, %add3A_263 : vector<16xf32>
      %sub3A_392 = arith.subf %min3A_391, %add3A_263 : vector<16xf32>
      %min3A_393 = arith.minimumf %abs3A_390, %add3A_260 : vector<16xf32>
      %sub3A_394 = arith.subf %min3A_393, %add3A_260 : vector<16xf32>
      %mul3A_395 = arith.mulf %sub3A_392, %sub3A_392 : vector<16xf32>
      %mul3A_396 = arith.mulf %mul3A_271, %mul3A_395 : vector<16xf32>
      %mul3A_397 = arith.mulf %sub3A_394, %sub3A_394 : vector<16xf32>
      %mul3A_398 = arith.mulf %mul3A_277, %mul3A_397 : vector<16xf32>
      %sub3A_399 = arith.subf %mul3A_396, %mul3A_398 : vector<16xf32>
      %add3A_400 = arith.constant 768 : i32
      %add3A_401 = vector.broadcast %add3A_400 : i32 to vector<16xi32>
      %add3A_402 = arith.addi %shift_left3A_293, %add3A_401 : vector<16xi32>
      %min3A_403 = arith.constant 65536 : i32
      %min3A_404 = vector.broadcast %min3A_403 : i32 to vector<16xi32>
      %min3A_405 = arith.minsi %add3A_402, %min3A_404 : vector<16xi32>
      %sub3A_406 = arith.constant 8.000000e+00 : f32
      %sub3A_407 = vector.broadcast %sub3A_406 : f32 to vector<16xf32>
      %sub3A_408 = arith.subf %sub3A_291, %sub3A_407 : vector<16xf32>
      %abs3A_409 = math.absf %sub3A_408 : vector<16xf32>
      %min3A_410 = arith.minimumf %abs3A_409, %add3A_263 : vector<16xf32>
      %sub3A_411 = arith.subf %min3A_410, %add3A_263 : vector<16xf32>
      %min3A_412 = arith.minimumf %abs3A_409, %add3A_260 : vector<16xf32>
      %sub3A_413 = arith.subf %min3A_412, %add3A_260 : vector<16xf32>
      %mul3A_414 = arith.mulf %sub3A_411, %sub3A_411 : vector<16xf32>
      %mul3A_415 = arith.mulf %mul3A_271, %mul3A_414 : vector<16xf32>
      %mul3A_416 = arith.mulf %sub3A_413, %sub3A_413 : vector<16xf32>
      %mul3A_417 = arith.mulf %mul3A_277, %mul3A_416 : vector<16xf32>
      %sub3A_418 = arith.subf %mul3A_415, %mul3A_417 : vector<16xf32>
      %add3A_419 = arith.constant 1024 : i32
      %add3A_420 = vector.broadcast %add3A_419 : i32 to vector<16xi32>
      %add3A_421 = arith.addi %shift_left3A_293, %add3A_420 : vector<16xi32>
      %min3A_422 = arith.constant 65536 : i32
      %min3A_423 = vector.broadcast %min3A_422 : i32 to vector<16xi32>
      %min3A_424 = arith.minsi %add3A_421, %min3A_423 : vector<16xi32>
      %sub3A_425 = arith.constant 1.000000e+01 : f32
      %sub3A_426 = vector.broadcast %sub3A_425 : f32 to vector<16xf32>
      %sub3A_427 = arith.subf %sub3A_291, %sub3A_426 : vector<16xf32>
      %abs3A_428 = math.absf %sub3A_427 : vector<16xf32>
      %min3A_429 = arith.minimumf %abs3A_428, %add3A_263 : vector<16xf32>
      %sub3A_430 = arith.subf %min3A_429, %add3A_263 : vector<16xf32>
      %min3A_431 = arith.minimumf %abs3A_428, %add3A_260 : vector<16xf32>
      %sub3A_432 = arith.subf %min3A_431, %add3A_260 : vector<16xf32>
      %mul3A_433 = arith.mulf %sub3A_430, %sub3A_430 : vector<16xf32>
      %mul3A_434 = arith.mulf %mul3A_271, %mul3A_433 : vector<16xf32>
      %mul3A_435 = arith.mulf %sub3A_432, %sub3A_432 : vector<16xf32>
      %mul3A_436 = arith.mulf %mul3A_277, %mul3A_435 : vector<16xf32>
      %sub3A_437 = arith.subf %mul3A_434, %mul3A_436 : vector<16xf32>
      %add3A_438 = arith.constant 1280 : i32
      %add3A_439 = vector.broadcast %add3A_438 : i32 to vector<16xi32>
      %add3A_440 = arith.addi %shift_left3A_293, %add3A_439 : vector<16xi32>
      %min3A_441 = arith.constant 65536 : i32
      %min3A_442 = vector.broadcast %min3A_441 : i32 to vector<16xi32>
      %min3A_443 = arith.minsi %add3A_440, %min3A_442 : vector<16xi32>
      %sub3A_444 = arith.constant 1.200000e+01 : f32
      %sub3A_445 = vector.broadcast %sub3A_444 : f32 to vector<16xf32>
      %sub3A_446 = arith.subf %sub3A_291, %sub3A_445 : vector<16xf32>
      %abs3A_447 = math.absf %sub3A_446 : vector<16xf32>
      %min3A_448 = arith.minimumf %abs3A_447, %add3A_263 : vector<16xf32>
      %sub3A_449 = arith.subf %min3A_448, %add3A_263 : vector<16xf32>
      %min3A_450 = arith.minimumf %abs3A_447, %add3A_260 : vector<16xf32>
      %sub3A_451 = arith.subf %min3A_450, %add3A_260 : vector<16xf32>
      %mul3A_452 = arith.mulf %sub3A_449, %sub3A_449 : vector<16xf32>
      %mul3A_453 = arith.mulf %mul3A_271, %mul3A_452 : vector<16xf32>
      %mul3A_454 = arith.mulf %sub3A_451, %sub3A_451 : vector<16xf32>
      %mul3A_455 = arith.mulf %mul3A_277, %mul3A_454 : vector<16xf32>
      %sub3A_456 = arith.subf %mul3A_453, %mul3A_455 : vector<16xf32>
      %add3A_457 = arith.constant 1536 : i32
      %add3A_458 = vector.broadcast %add3A_457 : i32 to vector<16xi32>
      %add3A_459 = arith.addi %shift_left3A_293, %add3A_458 : vector<16xi32>
      %min3A_460 = arith.constant 65536 : i32
      %min3A_461 = vector.broadcast %min3A_460 : i32 to vector<16xi32>
      %min3A_462 = arith.minsi %add3A_459, %min3A_461 : vector<16xi32>
      %add3A_463 = arith.constant 0 : i32
      %add3A_464 = vector.broadcast %add3A_463 : i32 to vector<16xi32>
      %add3A_465 = arith.addi %max3A_322, %add3A_464 : vector<16xi32>
      %sub3A_466 = arith.constant 0.000000e+00 : f32
      %sub3A_467 = vector.broadcast %sub3A_466 : f32 to vector<16xf32>
      %sub3A_468 = arith.subf %sub3A_330, %sub3A_467 : vector<16xf32>
      %abs3A_469 = math.absf %sub3A_468 : vector<16xf32>
      %lt3A = arith.constant 256 : i32
      %lt3A_470 = vector.broadcast %lt3A : i32 to vector<16xi32>
      %lt3A_471 = arith.cmpi slt, %add3A_465, %lt3A_470 : vector<16xi32>
      %jit3A = arith.constant 1.000000e+09 : f32
      %broadcast_in_dim3A_472 = vector.broadcast %jit3A : f32 to vector<16xf32>
      %select_n3A = arith.select %lt3A_471, %abs3A_469, %broadcast_in_dim3A_472 : vector<16xi1>, vector<16xf32>
      %min3A_473 = arith.minimumf %select_n3A, %add3A_307 : vector<16xf32>
      %sub3A_474 = arith.subf %min3A_473, %add3A_307 : vector<16xf32>
      %min3A_475 = arith.minimumf %select_n3A, %add3A_304 : vector<16xf32>
      %sub3A_476 = arith.subf %min3A_475, %add3A_304 : vector<16xf32>
      %mul3A_477 = arith.mulf %sub3A_474, %sub3A_474 : vector<16xf32>
      %mul3A_478 = arith.mulf %get3A_314, %mul3A_477 : vector<16xf32>
      %mul3A_479 = arith.mulf %sub3A_476, %sub3A_476 : vector<16xf32>
      %mul3A_480 = arith.mulf %add3A_312, %mul3A_479 : vector<16xf32>
      %sub3A_481 = arith.subf %mul3A_478, %mul3A_480 : vector<16xf32>
      %min3A_482 = arith.constant 255 : i32
      %min3A_483 = vector.broadcast %min3A_482 : i32 to vector<16xi32>
      %min3A_484 = arith.minsi %add3A_465, %min3A_483 : vector<16xi32>
      %add3A_485 = arith.constant 1 : i32
      %add3A_486 = vector.broadcast %add3A_485 : i32 to vector<16xi32>
      %add3A_487 = arith.addi %max3A_322, %add3A_486 : vector<16xi32>
      %sub3A_488 = arith.constant 2.000000e+00 : f32
      %sub3A_489 = vector.broadcast %sub3A_488 : f32 to vector<16xf32>
      %sub3A_490 = arith.subf %sub3A_330, %sub3A_489 : vector<16xf32>
      %abs3A_491 = math.absf %sub3A_490 : vector<16xf32>
      %lt3A_492 = arith.constant 256 : i32
      %lt3A_493 = vector.broadcast %lt3A_492 : i32 to vector<16xi32>
      %lt3A_494 = arith.cmpi slt, %add3A_487, %lt3A_493 : vector<16xi32>
      %jit3A_495 = arith.constant 1.000000e+09 : f32
      %broadcast_in_dim3A_496 = vector.broadcast %jit3A_495 : f32 to vector<16xf32>
      %select_n3A_497 = arith.select %lt3A_494, %abs3A_491, %broadcast_in_dim3A_496 : vector<16xi1>, vector<16xf32>
      %min3A_498 = arith.minimumf %select_n3A_497, %add3A_307 : vector<16xf32>
      %sub3A_499 = arith.subf %min3A_498, %add3A_307 : vector<16xf32>
      %min3A_500 = arith.minimumf %select_n3A_497, %add3A_304 : vector<16xf32>
      %sub3A_501 = arith.subf %min3A_500, %add3A_304 : vector<16xf32>
      %mul3A_502 = arith.mulf %sub3A_499, %sub3A_499 : vector<16xf32>
      %mul3A_503 = arith.mulf %get3A_314, %mul3A_502 : vector<16xf32>
      %mul3A_504 = arith.mulf %sub3A_501, %sub3A_501 : vector<16xf32>
      %mul3A_505 = arith.mulf %add3A_312, %mul3A_504 : vector<16xf32>
      %sub3A_506 = arith.subf %mul3A_503, %mul3A_505 : vector<16xf32>
      %min3A_507 = arith.constant 255 : i32
      %min3A_508 = vector.broadcast %min3A_507 : i32 to vector<16xi32>
      %min3A_509 = arith.minsi %add3A_487, %min3A_508 : vector<16xi32>
      %add3A_510 = arith.constant 2 : i32
      %add3A_511 = vector.broadcast %add3A_510 : i32 to vector<16xi32>
      %add3A_512 = arith.addi %max3A_322, %add3A_511 : vector<16xi32>
      %sub3A_513 = arith.constant 4.000000e+00 : f32
      %sub3A_514 = vector.broadcast %sub3A_513 : f32 to vector<16xf32>
      %sub3A_515 = arith.subf %sub3A_330, %sub3A_514 : vector<16xf32>
      %abs3A_516 = math.absf %sub3A_515 : vector<16xf32>
      %lt3A_517 = arith.constant 256 : i32
      %lt3A_518 = vector.broadcast %lt3A_517 : i32 to vector<16xi32>
      %lt3A_519 = arith.cmpi slt, %add3A_512, %lt3A_518 : vector<16xi32>
      %jit3A_520 = arith.constant 1.000000e+09 : f32
      %broadcast_in_dim3A_521 = vector.broadcast %jit3A_520 : f32 to vector<16xf32>
      %select_n3A_522 = arith.select %lt3A_519, %abs3A_516, %broadcast_in_dim3A_521 : vector<16xi1>, vector<16xf32>
      %min3A_523 = arith.minimumf %select_n3A_522, %add3A_307 : vector<16xf32>
      %sub3A_524 = arith.subf %min3A_523, %add3A_307 : vector<16xf32>
      %min3A_525 = arith.minimumf %select_n3A_522, %add3A_304 : vector<16xf32>
      %sub3A_526 = arith.subf %min3A_525, %add3A_304 : vector<16xf32>
      %mul3A_527 = arith.mulf %sub3A_524, %sub3A_524 : vector<16xf32>
      %mul3A_528 = arith.mulf %get3A_314, %mul3A_527 : vector<16xf32>
      %mul3A_529 = arith.mulf %sub3A_526, %sub3A_526 : vector<16xf32>
      %mul3A_530 = arith.mulf %add3A_312, %mul3A_529 : vector<16xf32>
      %sub3A_531 = arith.subf %mul3A_528, %mul3A_530 : vector<16xf32>
      %min3A_532 = arith.constant 255 : i32
      %min3A_533 = vector.broadcast %min3A_532 : i32 to vector<16xi32>
      %min3A_534 = arith.minsi %add3A_512, %min3A_533 : vector<16xi32>
      %add3A_535 = arith.constant 3 : i32
      %add3A_536 = vector.broadcast %add3A_535 : i32 to vector<16xi32>
      %add3A_537 = arith.addi %max3A_322, %add3A_536 : vector<16xi32>
      %sub3A_538 = arith.constant 6.000000e+00 : f32
      %sub3A_539 = vector.broadcast %sub3A_538 : f32 to vector<16xf32>
      %sub3A_540 = arith.subf %sub3A_330, %sub3A_539 : vector<16xf32>
      %abs3A_541 = math.absf %sub3A_540 : vector<16xf32>
      %lt3A_542 = arith.constant 256 : i32
      %lt3A_543 = vector.broadcast %lt3A_542 : i32 to vector<16xi32>
      %lt3A_544 = arith.cmpi slt, %add3A_537, %lt3A_543 : vector<16xi32>
      %jit3A_545 = arith.constant 1.000000e+09 : f32
      %broadcast_in_dim3A_546 = vector.broadcast %jit3A_545 : f32 to vector<16xf32>
      %select_n3A_547 = arith.select %lt3A_544, %abs3A_541, %broadcast_in_dim3A_546 : vector<16xi1>, vector<16xf32>
      %min3A_548 = arith.minimumf %select_n3A_547, %add3A_307 : vector<16xf32>
      %sub3A_549 = arith.subf %min3A_548, %add3A_307 : vector<16xf32>
      %min3A_550 = arith.minimumf %select_n3A_547, %add3A_304 : vector<16xf32>
      %sub3A_551 = arith.subf %min3A_550, %add3A_304 : vector<16xf32>
      %mul3A_552 = arith.mulf %sub3A_549, %sub3A_549 : vector<16xf32>
      %mul3A_553 = arith.mulf %get3A_314, %mul3A_552 : vector<16xf32>
      %mul3A_554 = arith.mulf %sub3A_551, %sub3A_551 : vector<16xf32>
      %mul3A_555 = arith.mulf %add3A_312, %mul3A_554 : vector<16xf32>
      %sub3A_556 = arith.subf %mul3A_553, %mul3A_555 : vector<16xf32>
      %min3A_557 = arith.constant 255 : i32
      %min3A_558 = vector.broadcast %min3A_557 : i32 to vector<16xi32>
      %min3A_559 = arith.minsi %add3A_537, %min3A_558 : vector<16xi32>
      %add3A_560 = arith.constant 4 : i32
      %add3A_561 = vector.broadcast %add3A_560 : i32 to vector<16xi32>
      %add3A_562 = arith.addi %max3A_322, %add3A_561 : vector<16xi32>
      %sub3A_563 = arith.constant 8.000000e+00 : f32
      %sub3A_564 = vector.broadcast %sub3A_563 : f32 to vector<16xf32>
      %sub3A_565 = arith.subf %sub3A_330, %sub3A_564 : vector<16xf32>
      %abs3A_566 = math.absf %sub3A_565 : vector<16xf32>
      %lt3A_567 = arith.constant 256 : i32
      %lt3A_568 = vector.broadcast %lt3A_567 : i32 to vector<16xi32>
      %lt3A_569 = arith.cmpi slt, %add3A_562, %lt3A_568 : vector<16xi32>
      %jit3A_570 = arith.constant 1.000000e+09 : f32
      %broadcast_in_dim3A_571 = vector.broadcast %jit3A_570 : f32 to vector<16xf32>
      %select_n3A_572 = arith.select %lt3A_569, %abs3A_566, %broadcast_in_dim3A_571 : vector<16xi1>, vector<16xf32>
      %min3A_573 = arith.minimumf %select_n3A_572, %add3A_307 : vector<16xf32>
      %sub3A_574 = arith.subf %min3A_573, %add3A_307 : vector<16xf32>
      %min3A_575 = arith.minimumf %select_n3A_572, %add3A_304 : vector<16xf32>
      %sub3A_576 = arith.subf %min3A_575, %add3A_304 : vector<16xf32>
      %mul3A_577 = arith.mulf %sub3A_574, %sub3A_574 : vector<16xf32>
      %mul3A_578 = arith.mulf %get3A_314, %mul3A_577 : vector<16xf32>
      %mul3A_579 = arith.mulf %sub3A_576, %sub3A_576 : vector<16xf32>
      %mul3A_580 = arith.mulf %add3A_312, %mul3A_579 : vector<16xf32>
      %sub3A_581 = arith.subf %mul3A_578, %mul3A_580 : vector<16xf32>
      %min3A_582 = arith.constant 255 : i32
      %min3A_583 = vector.broadcast %min3A_582 : i32 to vector<16xi32>
      %min3A_584 = arith.minsi %add3A_562, %min3A_583 : vector<16xi32>
      %add3A_585 = arith.constant 5 : i32
      %add3A_586 = vector.broadcast %add3A_585 : i32 to vector<16xi32>
      %add3A_587 = arith.addi %max3A_322, %add3A_586 : vector<16xi32>
      %sub3A_588 = arith.constant 1.000000e+01 : f32
      %sub3A_589 = vector.broadcast %sub3A_588 : f32 to vector<16xf32>
      %sub3A_590 = arith.subf %sub3A_330, %sub3A_589 : vector<16xf32>
      %abs3A_591 = math.absf %sub3A_590 : vector<16xf32>
      %lt3A_592 = arith.constant 256 : i32
      %lt3A_593 = vector.broadcast %lt3A_592 : i32 to vector<16xi32>
      %lt3A_594 = arith.cmpi slt, %add3A_587, %lt3A_593 : vector<16xi32>
      %jit3A_595 = arith.constant 1.000000e+09 : f32
      %broadcast_in_dim3A_596 = vector.broadcast %jit3A_595 : f32 to vector<16xf32>
      %select_n3A_597 = arith.select %lt3A_594, %abs3A_591, %broadcast_in_dim3A_596 : vector<16xi1>, vector<16xf32>
      %min3A_598 = arith.minimumf %select_n3A_597, %add3A_307 : vector<16xf32>
      %sub3A_599 = arith.subf %min3A_598, %add3A_307 : vector<16xf32>
      %min3A_600 = arith.minimumf %select_n3A_597, %add3A_304 : vector<16xf32>
      %sub3A_601 = arith.subf %min3A_600, %add3A_304 : vector<16xf32>
      %mul3A_602 = arith.mulf %sub3A_599, %sub3A_599 : vector<16xf32>
      %mul3A_603 = arith.mulf %get3A_314, %mul3A_602 : vector<16xf32>
      %mul3A_604 = arith.mulf %sub3A_601, %sub3A_601 : vector<16xf32>
      %mul3A_605 = arith.mulf %add3A_312, %mul3A_604 : vector<16xf32>
      %sub3A_606 = arith.subf %mul3A_603, %mul3A_605 : vector<16xf32>
      %min3A_607 = arith.constant 255 : i32
      %min3A_608 = vector.broadcast %min3A_607 : i32 to vector<16xi32>
      %min3A_609 = arith.minsi %add3A_587, %min3A_608 : vector<16xi32>
      %add3A_610 = arith.constant 6 : i32
      %add3A_611 = vector.broadcast %add3A_610 : i32 to vector<16xi32>
      %add3A_612 = arith.addi %max3A_322, %add3A_611 : vector<16xi32>
      %sub3A_613 = arith.constant 1.200000e+01 : f32
      %sub3A_614 = vector.broadcast %sub3A_613 : f32 to vector<16xf32>
      %sub3A_615 = arith.subf %sub3A_330, %sub3A_614 : vector<16xf32>
      %abs3A_616 = math.absf %sub3A_615 : vector<16xf32>
      %lt3A_617 = arith.constant 256 : i32
      %lt3A_618 = vector.broadcast %lt3A_617 : i32 to vector<16xi32>
      %lt3A_619 = arith.cmpi slt, %add3A_612, %lt3A_618 : vector<16xi32>
      %jit3A_620 = arith.constant 1.000000e+09 : f32
      %broadcast_in_dim3A_621 = vector.broadcast %jit3A_620 : f32 to vector<16xf32>
      %select_n3A_622 = arith.select %lt3A_619, %abs3A_616, %broadcast_in_dim3A_621 : vector<16xi1>, vector<16xf32>
      %min3A_623 = arith.minimumf %select_n3A_622, %add3A_307 : vector<16xf32>
      %sub3A_624 = arith.subf %min3A_623, %add3A_307 : vector<16xf32>
      %min3A_625 = arith.minimumf %select_n3A_622, %add3A_304 : vector<16xf32>
      %sub3A_626 = arith.subf %min3A_625, %add3A_304 : vector<16xf32>
      %mul3A_627 = arith.mulf %sub3A_624, %sub3A_624 : vector<16xf32>
      %mul3A_628 = arith.mulf %get3A_314, %mul3A_627 : vector<16xf32>
      %mul3A_629 = arith.mulf %sub3A_626, %sub3A_626 : vector<16xf32>
      %mul3A_630 = arith.mulf %add3A_312, %mul3A_629 : vector<16xf32>
      %sub3A_631 = arith.subf %mul3A_628, %mul3A_630 : vector<16xf32>
      %min3A_632 = arith.constant 255 : i32
      %min3A_633 = vector.broadcast %min3A_632 : i32 to vector<16xi32>
      %min3A_634 = arith.minsi %add3A_612, %min3A_633 : vector<16xi32>
      %add3A_635 = arith.addi %min3A_348, %min3A_484 : vector<16xi32>
      %mul3A_636 = arith.mulf %sub3A_342, %sub3A_481 : vector<16xf32>
      tpu.vector_store_idx %arg22[%mul3A_145, %add3A_635], %mul3A_636 {add = true} : memref<257x256xf32, #tpu.memory_space<vmem>>[vector<16xi32>, vector<16xi32>], vector<16xf32>,
      %add3A_637 = arith.addi %min3A_348, %min3A_509 : vector<16xi32>
      %mul3A_638 = arith.mulf %sub3A_342, %sub3A_506 : vector<16xf32>
      tpu.vector_store_idx %arg22[%mul3A_145, %add3A_637], %mul3A_638 {add = true} : memref<257x256xf32, #tpu.memory_space<vmem>>[vector<16xi32>, vector<16xi32>], vector<16xf32>,
      %add3A_639 = arith.addi %min3A_348, %min3A_534 : vector<16xi32>
      %mul3A_640 = arith.mulf %sub3A_342, %sub3A_531 : vector<16xf32>
      tpu.vector_store_idx %arg22[%mul3A_145, %add3A_639], %mul3A_640 {add = true} : memref<257x256xf32, #tpu.memory_space<vmem>>[vector<16xi32>, vector<16xi32>], vector<16xf32>,
      %add3A_641 = arith.addi %min3A_348, %min3A_559 : vector<16xi32>
      %mul3A_642 = arith.mulf %sub3A_342, %sub3A_556 : vector<16xf32>
      tpu.vector_store_idx %arg22[%mul3A_145, %add3A_641], %mul3A_642 {add = true} : memref<257x256xf32, #tpu.memory_space<vmem>>[vector<16xi32>, vector<16xi32>], vector<16xf32>,
      %add3A_643 = arith.addi %min3A_348, %min3A_584 : vector<16xi32>
      %mul3A_644 = arith.mulf %sub3A_342, %sub3A_581 : vector<16xf32>
      tpu.vector_store_idx %arg22[%mul3A_145, %add3A_643], %mul3A_644 {add = true} : memref<257x256xf32, #tpu.memory_space<vmem>>[vector<16xi32>, vector<16xi32>], vector<16xf32>,
      %add3A_645 = arith.addi %min3A_348, %min3A_609 : vector<16xi32>
      %mul3A_646 = arith.mulf %sub3A_342, %sub3A_606 : vector<16xf32>
      tpu.vector_store_idx %arg22[%mul3A_145, %add3A_645], %mul3A_646 {add = true} : memref<257x256xf32, #tpu.memory_space<vmem>>[vector<16xi32>, vector<16xi32>], vector<16xf32>,
      %add3A_647 = arith.addi %min3A_348, %min3A_634 : vector<16xi32>
      %mul3A_648 = arith.mulf %sub3A_342, %sub3A_631 : vector<16xf32>
      tpu.vector_store_idx %arg22[%mul3A_145, %add3A_647], %mul3A_648 {add = true} : memref<257x256xf32, #tpu.memory_space<vmem>>[vector<16xi32>, vector<16xi32>], vector<16xf32>,
      %add3A_649 = arith.addi %min3A_367, %min3A_484 : vector<16xi32>
      %mul3A_650 = arith.mulf %sub3A_361, %sub3A_481 : vector<16xf32>
      tpu.vector_store_idx %arg22[%mul3A_145, %add3A_649], %mul3A_650 {add = true} : memref<257x256xf32, #tpu.memory_space<vmem>>[vector<16xi32>, vector<16xi32>], vector<16xf32>,
      %add3A_651 = arith.addi %min3A_367, %min3A_509 : vector<16xi32>
      %mul3A_652 = arith.mulf %sub3A_361, %sub3A_506 : vector<16xf32>
      tpu.vector_store_idx %arg22[%mul3A_145, %add3A_651], %mul3A_652 {add = true} : memref<257x256xf32, #tpu.memory_space<vmem>>[vector<16xi32>, vector<16xi32>], vector<16xf32>,
      %add3A_653 = arith.addi %min3A_367, %min3A_534 : vector<16xi32>
      %mul3A_654 = arith.mulf %sub3A_361, %sub3A_531 : vector<16xf32>
      tpu.vector_store_idx %arg22[%mul3A_145, %add3A_653], %mul3A_654 {add = true} : memref<257x256xf32, #tpu.memory_space<vmem>>[vector<16xi32>, vector<16xi32>], vector<16xf32>,
      %add3A_655 = arith.addi %min3A_367, %min3A_559 : vector<16xi32>
      %mul3A_656 = arith.mulf %sub3A_361, %sub3A_556 : vector<16xf32>
      tpu.vector_store_idx %arg22[%mul3A_145, %add3A_655], %mul3A_656 {add = true} : memref<257x256xf32, #tpu.memory_space<vmem>>[vector<16xi32>, vector<16xi32>], vector<16xf32>,
      %add3A_657 = arith.addi %min3A_367, %min3A_584 : vector<16xi32>
      %mul3A_658 = arith.mulf %sub3A_361, %sub3A_581 : vector<16xf32>
      tpu.vector_store_idx %arg22[%mul3A_145, %add3A_657], %mul3A_658 {add = true} : memref<257x256xf32, #tpu.memory_space<vmem>>[vector<16xi32>, vector<16xi32>], vector<16xf32>,
      %add3A_659 = arith.addi %min3A_367, %min3A_609 : vector<16xi32>
      %mul3A_660 = arith.mulf %sub3A_361, %sub3A_606 : vector<16xf32>
      tpu.vector_store_idx %arg22[%mul3A_145, %add3A_659], %mul3A_660 {add = true} : memref<257x256xf32, #tpu.memory_space<vmem>>[vector<16xi32>, vector<16xi32>], vector<16xf32>,
      %add3A_661 = arith.addi %min3A_367, %min3A_634 : vector<16xi32>
      %mul3A_662 = arith.mulf %sub3A_361, %sub3A_631 : vector<16xf32>
      tpu.vector_store_idx %arg22[%mul3A_145, %add3A_661], %mul3A_662 {add = true} : memref<257x256xf32, #tpu.memory_space<vmem>>[vector<16xi32>, vector<16xi32>], vector<16xf32>,
      %add3A_663 = arith.addi %min3A_386, %min3A_484 : vector<16xi32>
      %mul3A_664 = arith.mulf %sub3A_380, %sub3A_481 : vector<16xf32>
      tpu.vector_store_idx %arg22[%mul3A_145, %add3A_663], %mul3A_664 {add = true} : memref<257x256xf32, #tpu.memory_space<vmem>>[vector<16xi32>, vector<16xi32>], vector<16xf32>,
      %add3A_665 = arith.addi %min3A_386, %min3A_509 : vector<16xi32>
      %mul3A_666 = arith.mulf %sub3A_380, %sub3A_506 : vector<16xf32>
      tpu.vector_store_idx %arg22[%mul3A_145, %add3A_665], %mul3A_666 {add = true} : memref<257x256xf32, #tpu.memory_space<vmem>>[vector<16xi32>, vector<16xi32>], vector<16xf32>,
      %add3A_667 = arith.addi %min3A_386, %min3A_534 : vector<16xi32>
      %mul3A_668 = arith.mulf %sub3A_380, %sub3A_531 : vector<16xf32>
      tpu.vector_store_idx %arg22[%mul3A_145, %add3A_667], %mul3A_668 {add = true} : memref<257x256xf32, #tpu.memory_space<vmem>>[vector<16xi32>, vector<16xi32>], vector<16xf32>,
      %add3A_669 = arith.addi %min3A_386, %min3A_559 : vector<16xi32>
      %mul3A_670 = arith.mulf %sub3A_380, %sub3A_556 : vector<16xf32>
      tpu.vector_store_idx %arg22[%mul3A_145, %add3A_669], %mul3A_670 {add = true} : memref<257x256xf32, #tpu.memory_space<vmem>>[vector<16xi32>, vector<16xi32>], vector<16xf32>,
      %add3A_671 = arith.addi %min3A_386, %min3A_584 : vector<16xi32>
      %mul3A_672 = arith.mulf %sub3A_380, %sub3A_581 : vector<16xf32>
      tpu.vector_store_idx %arg22[%mul3A_145, %add3A_671], %mul3A_672 {add = true} : memref<257x256xf32, #tpu.memory_space<vmem>>[vector<16xi32>, vector<16xi32>], vector<16xf32>,
      %add3A_673 = arith.addi %min3A_386, %min3A_609 : vector<16xi32>
      %mul3A_674 = arith.mulf %sub3A_380, %sub3A_606 : vector<16xf32>
      tpu.vector_store_idx %arg22[%mul3A_145, %add3A_673], %mul3A_674 {add = true} : memref<257x256xf32, #tpu.memory_space<vmem>>[vector<16xi32>, vector<16xi32>], vector<16xf32>,
      %add3A_675 = arith.addi %min3A_386, %min3A_634 : vector<16xi32>
      %mul3A_676 = arith.mulf %sub3A_380, %sub3A_631 : vector<16xf32>
      tpu.vector_store_idx %arg22[%mul3A_145, %add3A_675], %mul3A_676 {add = true} : memref<257x256xf32, #tpu.memory_space<vmem>>[vector<16xi32>, vector<16xi32>], vector<16xf32>,
      %add3A_677 = arith.addi %min3A_405, %min3A_484 : vector<16xi32>
      %mul3A_678 = arith.mulf %sub3A_399, %sub3A_481 : vector<16xf32>
      tpu.vector_store_idx %arg22[%mul3A_145, %add3A_677], %mul3A_678 {add = true} : memref<257x256xf32, #tpu.memory_space<vmem>>[vector<16xi32>, vector<16xi32>], vector<16xf32>,
      %add3A_679 = arith.addi %min3A_405, %min3A_509 : vector<16xi32>
      %mul3A_680 = arith.mulf %sub3A_399, %sub3A_506 : vector<16xf32>
      tpu.vector_store_idx %arg22[%mul3A_145, %add3A_679], %mul3A_680 {add = true} : memref<257x256xf32, #tpu.memory_space<vmem>>[vector<16xi32>, vector<16xi32>], vector<16xf32>,
      %add3A_681 = arith.addi %min3A_405, %min3A_534 : vector<16xi32>
      %mul3A_682 = arith.mulf %sub3A_399, %sub3A_531 : vector<16xf32>
      tpu.vector_store_idx %arg22[%mul3A_145, %add3A_681], %mul3A_682 {add = true} : memref<257x256xf32, #tpu.memory_space<vmem>>[vector<16xi32>, vector<16xi32>], vector<16xf32>,
      %add3A_683 = arith.addi %min3A_405, %min3A_559 : vector<16xi32>
      %mul3A_684 = arith.mulf %sub3A_399, %sub3A_556 : vector<16xf32>
      tpu.vector_store_idx %arg22[%mul3A_145, %add3A_683], %mul3A_684 {add = true} : memref<257x256xf32, #tpu.memory_space<vmem>>[vector<16xi32>, vector<16xi32>], vector<16xf32>,
      %add3A_685 = arith.addi %min3A_405, %min3A_584 : vector<16xi32>
      %mul3A_686 = arith.mulf %sub3A_399, %sub3A_581 : vector<16xf32>
      tpu.vector_store_idx %arg22[%mul3A_145, %add3A_685], %mul3A_686 {add = true} : memref<257x256xf32, #tpu.memory_space<vmem>>[vector<16xi32>, vector<16xi32>], vector<16xf32>,
      %add3A_687 = arith.addi %min3A_405, %min3A_609 : vector<16xi32>
      %mul3A_688 = arith.mulf %sub3A_399, %sub3A_606 : vector<16xf32>
      tpu.vector_store_idx %arg22[%mul3A_145, %add3A_687], %mul3A_688 {add = true} : memref<257x256xf32, #tpu.memory_space<vmem>>[vector<16xi32>, vector<16xi32>], vector<16xf32>,
      %add3A_689 = arith.addi %min3A_405, %min3A_634 : vector<16xi32>
      %mul3A_690 = arith.mulf %sub3A_399, %sub3A_631 : vector<16xf32>
      tpu.vector_store_idx %arg22[%mul3A_145, %add3A_689], %mul3A_690 {add = true} : memref<257x256xf32, #tpu.memory_space<vmem>>[vector<16xi32>, vector<16xi32>], vector<16xf32>,
      %add3A_691 = arith.addi %min3A_424, %min3A_484 : vector<16xi32>
      %mul3A_692 = arith.mulf %sub3A_418, %sub3A_481 : vector<16xf32>
      tpu.vector_store_idx %arg22[%mul3A_145, %add3A_691], %mul3A_692 {add = true} : memref<257x256xf32, #tpu.memory_space<vmem>>[vector<16xi32>, vector<16xi32>], vector<16xf32>,
      %add3A_693 = arith.addi %min3A_424, %min3A_509 : vector<16xi32>
      %mul3A_694 = arith.mulf %sub3A_418, %sub3A_506 : vector<16xf32>
      tpu.vector_store_idx %arg22[%mul3A_145, %add3A_693], %mul3A_694 {add = true} : memref<257x256xf32, #tpu.memory_space<vmem>>[vector<16xi32>, vector<16xi32>], vector<16xf32>,
      %add3A_695 = arith.addi %min3A_424, %min3A_534 : vector<16xi32>
      %mul3A_696 = arith.mulf %sub3A_418, %sub3A_531 : vector<16xf32>
      tpu.vector_store_idx %arg22[%mul3A_145, %add3A_695], %mul3A_696 {add = true} : memref<257x256xf32, #tpu.memory_space<vmem>>[vector<16xi32>, vector<16xi32>], vector<16xf32>,
      %add3A_697 = arith.addi %min3A_424, %min3A_559 : vector<16xi32>
      %mul3A_698 = arith.mulf %sub3A_418, %sub3A_556 : vector<16xf32>
      tpu.vector_store_idx %arg22[%mul3A_145, %add3A_697], %mul3A_698 {add = true} : memref<257x256xf32, #tpu.memory_space<vmem>>[vector<16xi32>, vector<16xi32>], vector<16xf32>,
      %add3A_699 = arith.addi %min3A_424, %min3A_584 : vector<16xi32>
      %mul3A_700 = arith.mulf %sub3A_418, %sub3A_581 : vector<16xf32>
      tpu.vector_store_idx %arg22[%mul3A_145, %add3A_699], %mul3A_700 {add = true} : memref<257x256xf32, #tpu.memory_space<vmem>>[vector<16xi32>, vector<16xi32>], vector<16xf32>,
      %add3A_701 = arith.addi %min3A_424, %min3A_609 : vector<16xi32>
      %mul3A_702 = arith.mulf %sub3A_418, %sub3A_606 : vector<16xf32>
      tpu.vector_store_idx %arg22[%mul3A_145, %add3A_701], %mul3A_702 {add = true} : memref<257x256xf32, #tpu.memory_space<vmem>>[vector<16xi32>, vector<16xi32>], vector<16xf32>,
      %add3A_703 = arith.addi %min3A_424, %min3A_634 : vector<16xi32>
      %mul3A_704 = arith.mulf %sub3A_418, %sub3A_631 : vector<16xf32>
      tpu.vector_store_idx %arg22[%mul3A_145, %add3A_703], %mul3A_704 {add = true} : memref<257x256xf32, #tpu.memory_space<vmem>>[vector<16xi32>, vector<16xi32>], vector<16xf32>,
      %add3A_705 = arith.addi %min3A_443, %min3A_484 : vector<16xi32>
      %mul3A_706 = arith.mulf %sub3A_437, %sub3A_481 : vector<16xf32>
      tpu.vector_store_idx %arg22[%mul3A_145, %add3A_705], %mul3A_706 {add = true} : memref<257x256xf32, #tpu.memory_space<vmem>>[vector<16xi32>, vector<16xi32>], vector<16xf32>,
      %add3A_707 = arith.addi %min3A_443, %min3A_509 : vector<16xi32>
      %mul3A_708 = arith.mulf %sub3A_437, %sub3A_506 : vector<16xf32>
      tpu.vector_store_idx %arg22[%mul3A_145, %add3A_707], %mul3A_708 {add = true} : memref<257x256xf32, #tpu.memory_space<vmem>>[vector<16xi32>, vector<16xi32>], vector<16xf32>,
      %add3A_709 = arith.addi %min3A_443, %min3A_534 : vector<16xi32>
      %mul3A_710 = arith.mulf %sub3A_437, %sub3A_531 : vector<16xf32>
      tpu.vector_store_idx %arg22[%mul3A_145, %add3A_709], %mul3A_710 {add = true} : memref<257x256xf32, #tpu.memory_space<vmem>>[vector<16xi32>, vector<16xi32>], vector<16xf32>,
      %add3A_711 = arith.addi %min3A_443, %min3A_559 : vector<16xi32>
      %mul3A_712 = arith.mulf %sub3A_437, %sub3A_556 : vector<16xf32>
      tpu.vector_store_idx %arg22[%mul3A_145, %add3A_711], %mul3A_712 {add = true} : memref<257x256xf32, #tpu.memory_space<vmem>>[vector<16xi32>, vector<16xi32>], vector<16xf32>,
      %add3A_713 = arith.addi %min3A_443, %min3A_584 : vector<16xi32>
      %mul3A_714 = arith.mulf %sub3A_437, %sub3A_581 : vector<16xf32>
      tpu.vector_store_idx %arg22[%mul3A_145, %add3A_713], %mul3A_714 {add = true} : memref<257x256xf32, #tpu.memory_space<vmem>>[vector<16xi32>, vector<16xi32>], vector<16xf32>,
      %add3A_715 = arith.addi %min3A_443, %min3A_609 : vector<16xi32>
      %mul3A_716 = arith.mulf %sub3A_437, %sub3A_606 : vector<16xf32>
      tpu.vector_store_idx %arg22[%mul3A_145, %add3A_715], %mul3A_716 {add = true} : memref<257x256xf32, #tpu.memory_space<vmem>>[vector<16xi32>, vector<16xi32>], vector<16xf32>,
      %add3A_717 = arith.addi %min3A_443, %min3A_634 : vector<16xi32>
      %mul3A_718 = arith.mulf %sub3A_437, %sub3A_631 : vector<16xf32>
      tpu.vector_store_idx %arg22[%mul3A_145, %add3A_717], %mul3A_718 {add = true} : memref<257x256xf32, #tpu.memory_space<vmem>>[vector<16xi32>, vector<16xi32>], vector<16xf32>,
      %add3A_719 = arith.addi %min3A_462, %min3A_484 : vector<16xi32>
      %mul3A_720 = arith.mulf %sub3A_456, %sub3A_481 : vector<16xf32>
      tpu.vector_store_idx %arg22[%mul3A_145, %add3A_719], %mul3A_720 {add = true} : memref<257x256xf32, #tpu.memory_space<vmem>>[vector<16xi32>, vector<16xi32>], vector<16xf32>,
      %add3A_721 = arith.addi %min3A_462, %min3A_509 : vector<16xi32>
      %mul3A_722 = arith.mulf %sub3A_456, %sub3A_506 : vector<16xf32>
      tpu.vector_store_idx %arg22[%mul3A_145, %add3A_721], %mul3A_722 {add = true} : memref<257x256xf32, #tpu.memory_space<vmem>>[vector<16xi32>, vector<16xi32>], vector<16xf32>,
      %add3A_723 = arith.addi %min3A_462, %min3A_534 : vector<16xi32>
      %mul3A_724 = arith.mulf %sub3A_456, %sub3A_531 : vector<16xf32>
      tpu.vector_store_idx %arg22[%mul3A_145, %add3A_723], %mul3A_724 {add = true} : memref<257x256xf32, #tpu.memory_space<vmem>>[vector<16xi32>, vector<16xi32>], vector<16xf32>,
      %add3A_725 = arith.addi %min3A_462, %min3A_559 : vector<16xi32>
      %mul3A_726 = arith.mulf %sub3A_456, %sub3A_556 : vector<16xf32>
      tpu.vector_store_idx %arg22[%mul3A_145, %add3A_725], %mul3A_726 {add = true} : memref<257x256xf32, #tpu.memory_space<vmem>>[vector<16xi32>, vector<16xi32>], vector<16xf32>,
      %add3A_727 = arith.addi %min3A_462, %min3A_584 : vector<16xi32>
      %mul3A_728 = arith.mulf %sub3A_456, %sub3A_581 : vector<16xf32>
      tpu.vector_store_idx %arg22[%mul3A_145, %add3A_727], %mul3A_728 {add = true} : memref<257x256xf32, #tpu.memory_space<vmem>>[vector<16xi32>, vector<16xi32>], vector<16xf32>,
      %add3A_729 = arith.addi %min3A_462, %min3A_609 : vector<16xi32>
      %mul3A_730 = arith.mulf %sub3A_456, %sub3A_606 : vector<16xf32>
      tpu.vector_store_idx %arg22[%mul3A_145, %add3A_729], %mul3A_730 {add = true} : memref<257x256xf32, #tpu.memory_space<vmem>>[vector<16xi32>, vector<16xi32>], vector<16xf32>,
      %add3A_731 = arith.addi %min3A_462, %min3A_634 : vector<16xi32>
      %mul3A_732 = arith.mulf %sub3A_456, %sub3A_631 : vector<16xf32>
      tpu.vector_store_idx %arg22[%mul3A_145, %add3A_731], %mul3A_732 {add = true} : memref<257x256xf32, #tpu.memory_space<vmem>>[vector<16xi32>, vector<16xi32>], vector<16xf32>,
    }
    %scan3A_150 = arith.constant 98 : i32
    %barrier3A = arith.constant 0 : index
    tpu.barrier barrier_id(%barrier3A)
    %dma_start3A_151 = arith.constant 0 : i32
    %dma_start3A_152 = arith.constant 0 : i32
    %dma_start3A_153 = tpu.memref_slice %arg22[%dma_start3A_151, %dma_start3A_152] : memref<257x256xf32, #tpu.memory_space<vmem>> -> memref<128x256xf32, #tpu.memory_space<vmem>>
    %dma_start3A_154 = arith.constant 0 : i32
    %dma_start3A_155 = arith.constant 0 : i32
    %dma_start3A_156 = tpu.memref_slice %arg23[%dma_start3A_154, %dma_start3A_155] : memref<256x256xf32, #tpu.memory_space<vmem_shared>> -> memref<256x256xf32, #tpu.memory_space<vmem_shared>>
    tpu.enqueue_indirect_dma source(%dma_start3A_153 : memref<128x256xf32, #tpu.memory_space<vmem>>) target(%dma_start3A_156 : memref<256x256xf32, #tpu.memory_space<vmem_shared>>) offsets(%arg24 : memref<128xi32, #tpu.memory_space<vmem>>) semaphore(%arg26 : memref<!tpu.dma_semaphore, #tpu.memory_space<semaphore_mem>>) {add = true}
    %dma_start3A_157 = arith.constant 128 : i32
    %dma_start3A_158 = arith.constant 0 : i32
    %dma_start3A_159 = tpu.memref_slice %arg22[%dma_start3A_157, %dma_start3A_158] : memref<257x256xf32, #tpu.memory_space<vmem>> -> memref<128x256xf32, #tpu.memory_space<vmem>>
    %dma_start3A_160 = arith.constant 0 : i32
    %dma_start3A_161 = arith.constant 0 : i32
    %dma_start3A_162 = tpu.memref_slice %arg23[%dma_start3A_160, %dma_start3A_161] : memref<256x256xf32, #tpu.memory_space<vmem_shared>> -> memref<256x256xf32, #tpu.memory_space<vmem_shared>>
    tpu.enqueue_indirect_dma source(%dma_start3A_159 : memref<128x256xf32, #tpu.memory_space<vmem>>) target(%dma_start3A_162 : memref<256x256xf32, #tpu.memory_space<vmem_shared>>) offsets(%arg25 : memref<128xi32, #tpu.memory_space<vmem>>) semaphore(%arg26 : memref<!tpu.dma_semaphore, #tpu.memory_space<semaphore_mem>>) {add = true}
    %dma_wait3A_163 = arith.constant 0 : i32
    %dma_wait3A_164 = arith.constant 0 : i32
    %dma_wait3A_165 = tpu.memref_slice %arg22[%dma_wait3A_163, %dma_wait3A_164] : memref<257x256xf32, #tpu.memory_space<vmem>> -> memref<128x256xf32, #tpu.memory_space<vmem>>
    %dma_wait3A_166 = arith.constant 0 : i32
    %dma_wait3A_167 = arith.constant 0 : i32
    %dma_wait3A_168 = tpu.memref_slice %arg23[%dma_wait3A_166, %dma_wait3A_167] : memref<256x256xf32, #tpu.memory_space<vmem_shared>> -> memref<256x256xf32, #tpu.memory_space<vmem_shared>>
    tpu.wait_indirect_dma semaphore(%arg26 : memref<!tpu.dma_semaphore, #tpu.memory_space<semaphore_mem>>) src(%dma_wait3A_165 : memref<128x256xf32, #tpu.memory_space<vmem>>) dst(%dma_wait3A_168 : memref<256x256xf32, #tpu.memory_space<vmem_shared>>)
    %dma_wait3A_169 = arith.constant 128 : i32
    %dma_wait3A_170 = arith.constant 0 : i32
    %dma_wait3A_171 = tpu.memref_slice %arg22[%dma_wait3A_169, %dma_wait3A_170] : memref<257x256xf32, #tpu.memory_space<vmem>> -> memref<128x256xf32, #tpu.memory_space<vmem>>
    %dma_wait3A_172 = arith.constant 0 : i32
    %dma_wait3A_173 = arith.constant 0 : i32
    %dma_wait3A_174 = tpu.memref_slice %arg23[%dma_wait3A_172, %dma_wait3A_173] : memref<256x256xf32, #tpu.memory_space<vmem_shared>> -> memref<256x256xf32, #tpu.memory_space<vmem_shared>>
    tpu.wait_indirect_dma semaphore(%arg26 : memref<!tpu.dma_semaphore, #tpu.memory_space<semaphore_mem>>) src(%dma_wait3A_171 : memref<128x256xf32, #tpu.memory_space<vmem>>) dst(%dma_wait3A_174 : memref<256x256xf32, #tpu.memory_space<vmem_shared>>)
    %barrier3A_175 = arith.constant 0 : index
    tpu.barrier barrier_id(%barrier3A_175)
    %mul3A_176 = arith.constant 2 : i32
    %mul3A_177 = arith.muli %arg1, %mul3A_176 : i32
    %add3A_178 = arith.constant 0 : i32
    %add3A_179 = arith.addi %mul3A_177, %add3A_178 : i32
    %mul3A_180 = arith.constant 8 : i32
    %mul3A_181 = arith.muli %add3A_179, %mul3A_180 : i32
    %dma_start3A_182 = arith.constant 0 : i32
    %dma_start3A_183 = arith.constant 0 : i32
    %dma_start3A_184 = arith.constant 0 : i32
    %dma_start3A_185 = tpu.memref_slice %arg11[%arg0, %add3A_179, %dma_start3A_182, %dma_start3A_183, %dma_start3A_184] : memref<2x32x2x8x128xf32, #tpu.memory_space<hbm>> -> memref<1x1x1x8x128xf32, #tpu.memory_space<hbm>>
    %dma_start3A_186 = tpu.memref_squeeze %dma_start3A_185 : memref<1x1x1x8x128xf32, #tpu.memory_space<hbm>> -> memref<8x128xf32, #tpu.memory_space<hbm>>
    %dma_start3A_187 = arith.constant 0 : i32
    %dma_start3A_188 = tpu.memref_slice %arg23[%mul3A_181, %dma_start3A_187] : memref<256x256xf32, #tpu.memory_space<vmem_shared>> -> memref<8x128xf32, #tpu.memory_space<vmem_shared>>
    tpu.enqueue_dma source(%dma_start3A_188 : memref<8x128xf32, #tpu.memory_space<vmem_shared>>) target(%dma_start3A_186 : memref<8x128xf32, #tpu.memory_space<hbm>>) target_semaphore(%arg26 : memref<!tpu.dma_semaphore, #tpu.memory_space<semaphore_mem>>)
    %mul3A_189 = arith.constant 8 : i32
    %mul3A_190 = arith.muli %add3A_179, %mul3A_189 : i32
    %dma_start3A_191 = arith.constant 1 : i32
    %dma_start3A_192 = arith.constant 0 : i32
    %dma_start3A_193 = arith.constant 0 : i32
    %dma_start3A_194 = tpu.memref_slice %arg11[%arg0, %add3A_179, %dma_start3A_191, %dma_start3A_192, %dma_start3A_193] : memref<2x32x2x8x128xf32, #tpu.memory_space<hbm>> -> memref<1x1x1x8x128xf32, #tpu.memory_space<hbm>>
    %dma_start3A_195 = tpu.memref_squeeze %dma_start3A_194 : memref<1x1x1x8x128xf32, #tpu.memory_space<hbm>> -> memref<8x128xf32, #tpu.memory_space<hbm>>
    %dma_start3A_196 = arith.constant 128 : i32
    %dma_start3A_197 = tpu.memref_slice %arg23[%mul3A_190, %dma_start3A_196] : memref<256x256xf32, #tpu.memory_space<vmem_shared>> -> memref<8x128xf32, #tpu.memory_space<vmem_shared>>
    tpu.enqueue_dma source(%dma_start3A_197 : memref<8x128xf32, #tpu.memory_space<vmem_shared>>) target(%dma_start3A_195 : memref<8x128xf32, #tpu.memory_space<hbm>>) target_semaphore(%arg26 : memref<!tpu.dma_semaphore, #tpu.memory_space<semaphore_mem>>)
    %mul3A_198 = arith.constant 2 : i32
    %mul3A_199 = arith.muli %arg1, %mul3A_198 : i32
    %add3A_200 = arith.constant 1 : i32
    %add3A_201 = arith.addi %mul3A_199, %add3A_200 : i32
    %mul3A_202 = arith.constant 8 : i32
    %mul3A_203 = arith.muli %add3A_201, %mul3A_202 : i32
    %dma_start3A_204 = arith.constant 0 : i32
    %dma_start3A_205 = arith.constant 0 : i32
    %dma_start3A_206 = arith.constant 0 : i32
    %dma_start3A_207 = tpu.memref_slice %arg11[%arg0, %add3A_201, %dma_start3A_204, %dma_start3A_205, %dma_start3A_206] : memref<2x32x2x8x128xf32, #tpu.memory_space<hbm>> -> memref<1x1x1x8x128xf32, #tpu.memory_space<hbm>>
    %dma_start3A_208 = tpu.memref_squeeze %dma_start3A_207 : memref<1x1x1x8x128xf32, #tpu.memory_space<hbm>> -> memref<8x128xf32, #tpu.memory_space<hbm>>
    %dma_start3A_209 = arith.constant 0 : i32
    %dma_start3A_210 = tpu.memref_slice %arg23[%mul3A_203, %dma_start3A_209] : memref<256x256xf32, #tpu.memory_space<vmem_shared>> -> memref<8x128xf32, #tpu.memory_space<vmem_shared>>
    tpu.enqueue_dma source(%dma_start3A_210 : memref<8x128xf32, #tpu.memory_space<vmem_shared>>) target(%dma_start3A_208 : memref<8x128xf32, #tpu.memory_space<hbm>>) target_semaphore(%arg26 : memref<!tpu.dma_semaphore, #tpu.memory_space<semaphore_mem>>)
    %mul3A_211 = arith.constant 8 : i32
    %mul3A_212 = arith.muli %add3A_201, %mul3A_211 : i32
    %dma_start3A_213 = arith.constant 1 : i32
    %dma_start3A_214 = arith.constant 0 : i32
    %dma_start3A_215 = arith.constant 0 : i32
    %dma_start3A_216 = tpu.memref_slice %arg11[%arg0, %add3A_201, %dma_start3A_213, %dma_start3A_214, %dma_start3A_215] : memref<2x32x2x8x128xf32, #tpu.memory_space<hbm>> -> memref<1x1x1x8x128xf32, #tpu.memory_space<hbm>>
    %dma_start3A_217 = tpu.memref_squeeze %dma_start3A_216 : memref<1x1x1x8x128xf32, #tpu.memory_space<hbm>> -> memref<8x128xf32, #tpu.memory_space<hbm>>
    %dma_start3A_218 = arith.constant 128 : i32
    %dma_start3A_219 = tpu.memref_slice %arg23[%mul3A_212, %dma_start3A_218] : memref<256x256xf32, #tpu.memory_space<vmem_shared>> -> memref<8x128xf32, #tpu.memory_space<vmem_shared>>
    tpu.enqueue_dma source(%dma_start3A_219 : memref<8x128xf32, #tpu.memory_space<vmem_shared>>) target(%dma_start3A_217 : memref<8x128xf32, #tpu.memory_space<hbm>>) target_semaphore(%arg26 : memref<!tpu.dma_semaphore, #tpu.memory_space<semaphore_mem>>)
    %dma_wait3A_220 = arith.constant 0 : i32
    %dma_wait3A_221 = arith.constant 0 : i32
    %dma_wait3A_222 = arith.constant 0 : i32
    %dma_wait3A_223 = tpu.memref_slice %arg11[%arg0, %add3A_179, %dma_wait3A_220, %dma_wait3A_221, %dma_wait3A_222] : memref<2x32x2x8x128xf32, #tpu.memory_space<hbm>> -> memref<1x1x1x8x128xf32, #tpu.memory_space<hbm>>
    %dma_wait3A_224 = tpu.memref_squeeze %dma_wait3A_223 : memref<1x1x1x8x128xf32, #tpu.memory_space<hbm>> -> memref<8x128xf32, #tpu.memory_space<hbm>>
    %dma_wait3A_225 = arith.constant 0 : i32
    %dma_wait3A_226 = tpu.memref_slice %arg23[%mul3A_181, %dma_wait3A_225] : memref<256x256xf32, #tpu.memory_space<vmem_shared>> -> memref<8x128xf32, #tpu.memory_space<vmem_shared>>
    tpu.wait_dma2 semaphore(%arg26 : memref<!tpu.dma_semaphore, #tpu.memory_space<semaphore_mem>>) src(%dma_wait3A_226 : memref<8x128xf32, #tpu.memory_space<vmem_shared>>) dst(%dma_wait3A_224 : memref<8x128xf32, #tpu.memory_space<hbm>>)
    %dma_wait3A_227 = arith.constant 1 : i32
    %dma_wait3A_228 = arith.constant 0 : i32
    %dma_wait3A_229 = arith.constant 0 : i32
    %dma_wait3A_230 = tpu.memref_slice %arg11[%arg0, %add3A_179, %dma_wait3A_227, %dma_wait3A_228, %dma_wait3A_229] : memref<2x32x2x8x128xf32, #tpu.memory_space<hbm>> -> memref<1x1x1x8x128xf32, #tpu.memory_space<hbm>>
    %dma_wait3A_231 = tpu.memref_squeeze %dma_wait3A_230 : memref<1x1x1x8x128xf32, #tpu.memory_space<hbm>> -> memref<8x128xf32, #tpu.memory_space<hbm>>
    %dma_wait3A_232 = arith.constant 128 : i32
    %dma_wait3A_233 = tpu.memref_slice %arg23[%mul3A_190, %dma_wait3A_232] : memref<256x256xf32, #tpu.memory_space<vmem_shared>> -> memref<8x128xf32, #tpu.memory_space<vmem_shared>>
    tpu.wait_dma2 semaphore(%arg26 : memref<!tpu.dma_semaphore, #tpu.memory_space<semaphore_mem>>) src(%dma_wait3A_233 : memref<8x128xf32, #tpu.memory_space<vmem_shared>>) dst(%dma_wait3A_231 : memref<8x128xf32, #tpu.memory_space<hbm>>)
    %dma_wait3A_234 = arith.constant 0 : i32
    %dma_wait3A_235 = arith.constant 0 : i32
    %dma_wait3A_236 = arith.constant 0 : i32
    %dma_wait3A_237 = tpu.memref_slice %arg11[%arg0, %add3A_201, %dma_wait3A_234, %dma_wait3A_235, %dma_wait3A_236] : memref<2x32x2x8x128xf32, #tpu.memory_space<hbm>> -> memref<1x1x1x8x128xf32, #tpu.memory_space<hbm>>
    %dma_wait3A_238 = tpu.memref_squeeze %dma_wait3A_237 : memref<1x1x1x8x128xf32, #tpu.memory_space<hbm>> -> memref<8x128xf32, #tpu.memory_space<hbm>>
    %dma_wait3A_239 = arith.constant 0 : i32
    %dma_wait3A_240 = tpu.memref_slice %arg23[%mul3A_203, %dma_wait3A_239] : memref<256x256xf32, #tpu.memory_space<vmem_shared>> -> memref<8x128xf32, #tpu.memory_space<vmem_shared>>
    tpu.wait_dma2 semaphore(%arg26 : memref<!tpu.dma_semaphore, #tpu.memory_space<semaphore_mem>>) src(%dma_wait3A_240 : memref<8x128xf32, #tpu.memory_space<vmem_shared>>) dst(%dma_wait3A_238 : memref<8x128xf32, #tpu.memory_space<hbm>>)
    %dma_wait3A_241 = arith.constant 1 : i32
    %dma_wait3A_242 = arith.constant 0 : i32
    %dma_wait3A_243 = arith.constant 0 : i32
    %dma_wait3A_244 = tpu.memref_slice %arg11[%arg0, %add3A_201, %dma_wait3A_241, %dma_wait3A_242, %dma_wait3A_243] : memref<2x32x2x8x128xf32, #tpu.memory_space<hbm>> -> memref<1x1x1x8x128xf32, #tpu.memory_space<hbm>>
    %dma_wait3A_245 = tpu.memref_squeeze %dma_wait3A_244 : memref<1x1x1x8x128xf32, #tpu.memory_space<hbm>> -> memref<8x128xf32, #tpu.memory_space<hbm>>
    %dma_wait3A_246 = arith.constant 128 : i32
    %dma_wait3A_247 = tpu.memref_slice %arg23[%mul3A_212, %dma_wait3A_246] : memref<256x256xf32, #tpu.memory_space<vmem_shared>> -> memref<8x128xf32, #tpu.memory_space<vmem_shared>>
    tpu.wait_dma2 semaphore(%arg26 : memref<!tpu.dma_semaphore, #tpu.memory_space<semaphore_mem>>) src(%dma_wait3A_247 : memref<8x128xf32, #tpu.memory_space<vmem_shared>>) dst(%dma_wait3A_245 : memref<8x128xf32, #tpu.memory_space<hbm>>)
    return
  }
}

module attributes {stable_mosaic.version = 14 : i64} {
  func.func @_cost_body(%arg0: memref<2x32x2x8x128xf32, #tpu.memory_space<vmem>>, %arg1: memref<256x256xf32, #tpu.memory_space<vmem>>, %arg2: memref<1x1xf32, #tpu.memory_space<vmem>>) attributes {dimension_semantics = [], scalar_prefetch = 0 : i64, scratch_operands = 0 : i64, tpu.core_type = #tpu.core_type<tc>} {
    %broadcast_in_dim3A = arith.constant 0.000000e+00 : f32
    %broadcast_in_dim3A_0 = vector.broadcast %broadcast_in_dim3A : f32 to vector<8x128xf32>
    %scan3A = arith.constant 0 : i32
    %scan3A_1 = arith.constant 32 : i32
    %scan3A_2 = arith.addi %scan3A, %scan3A_1 : i32
    %scan3A_3 = arith.constant 1 : i32
    %scan3A_4 = scf.for %scan3A_13 = %scan3A to %scan3A_2 step %scan3A_3 iter_args(%scan3A_14 = %broadcast_in_dim3A_0) -> (vector<8x128xf32>)  : i32 {
      %mul3A = arith.constant 8 : i32
      %mul3A_15 = arith.muli %scan3A_13, %mul3A : i32
      %get3A = arith.constant 0 : index
      %get3A_16 = arith.index_cast %scan3A_13 : i32 to index
      %get3A_17 = arith.constant 0 : index
      %get3A_18 = arith.constant 0 : index
      %get3A_19 = arith.constant 0 : index
      %get3A_20 = vector.load %arg0[%get3A, %get3A_16, %get3A_17, %get3A_18, %get3A_19] : memref<2x32x2x8x128xf32, #tpu.memory_space<vmem>>, vector<1x1x1x8x128xf32>
      %get3A_21 = vector.shape_cast %get3A_20 : vector<1x1x1x8x128xf32> to vector<8x128xf32>
      %get3A_22 = arith.constant 1 : index
      %get3A_23 = arith.index_cast %scan3A_13 : i32 to index
      %get3A_24 = arith.constant 0 : index
      %get3A_25 = arith.constant 0 : index
      %get3A_26 = arith.constant 0 : index
      %get3A_27 = vector.load %arg0[%get3A_22, %get3A_23, %get3A_24, %get3A_25, %get3A_26] : memref<2x32x2x8x128xf32, #tpu.memory_space<vmem>>, vector<1x1x1x8x128xf32>
      %get3A_28 = vector.shape_cast %get3A_27 : vector<1x1x1x8x128xf32> to vector<8x128xf32>
      %add3A = arith.addf %get3A_21, %get3A_28 : vector<8x128xf32>
      %get3A_29 = arith.index_cast %mul3A_15 : i32 to index
      %get3A_30 = arith.constant 0 : index
      %get3A_31 = vector.load %arg1[%get3A_29, %get3A_30] : memref<256x256xf32, #tpu.memory_space<vmem>>, vector<8x128xf32>
      %add3A_32 = arith.addf %add3A, %get3A_31 : vector<8x128xf32>
      %sub3A = arith.constant 3.600000e+00 : f32
      %sub3A_33 = vector.broadcast %sub3A : f32 to vector<8x128xf32>
      %sub3A_34 = arith.subf %add3A_32, %sub3A_33 : vector<8x128xf32>
      %get3A_35 = arith.constant 0 : index
      %get3A_36 = arith.index_cast %scan3A_13 : i32 to index
      %get3A_37 = arith.constant 1 : index
      %get3A_38 = arith.constant 0 : index
      %get3A_39 = arith.constant 0 : index
      %get3A_40 = vector.load %arg0[%get3A_35, %get3A_36, %get3A_37, %get3A_38, %get3A_39] : memref<2x32x2x8x128xf32, #tpu.memory_space<vmem>>, vector<1x1x1x8x128xf32>
      %get3A_41 = vector.shape_cast %get3A_40 : vector<1x1x1x8x128xf32> to vector<8x128xf32>
      %get3A_42 = arith.constant 1 : index
      %get3A_43 = arith.index_cast %scan3A_13 : i32 to index
      %get3A_44 = arith.constant 1 : index
      %get3A_45 = arith.constant 0 : index
      %get3A_46 = arith.constant 0 : index
      %get3A_47 = vector.load %arg0[%get3A_42, %get3A_43, %get3A_44, %get3A_45, %get3A_46] : memref<2x32x2x8x128xf32, #tpu.memory_space<vmem>>, vector<1x1x1x8x128xf32>
      %get3A_48 = vector.shape_cast %get3A_47 : vector<1x1x1x8x128xf32> to vector<8x128xf32>
      %add3A_49 = arith.addf %get3A_41, %get3A_48 : vector<8x128xf32>
      %get3A_50 = arith.index_cast %mul3A_15 : i32 to index
      %get3A_51 = arith.constant 128 : index
      %get3A_52 = vector.load %arg1[%get3A_50, %get3A_51] : memref<256x256xf32, #tpu.memory_space<vmem>>, vector<8x128xf32>
      %add3A_53 = arith.addf %add3A_49, %get3A_52 : vector<8x128xf32>
      %sub3A_54 = arith.constant 3.600000e+00 : f32
      %sub3A_55 = vector.broadcast %sub3A_54 : f32 to vector<8x128xf32>
      %sub3A_56 = arith.subf %add3A_53, %sub3A_55 : vector<8x128xf32>
      %mul3A_57 = arith.mulf %sub3A_34, %sub3A_34 : vector<8x128xf32>
      %add3A_58 = arith.addf %scan3A_14, %mul3A_57 : vector<8x128xf32>
      %mul3A_59 = arith.mulf %sub3A_56, %sub3A_56 : vector<8x128xf32>
      %add3A_60 = arith.addf %add3A_58, %mul3A_59 : vector<8x128xf32>
      scf.yield %add3A_60 : vector<8x128xf32>
    }
    %scan3A_5 = arith.constant 32 : i32
    %reduce_sum3A = vector.shape_cast %scan3A_4 : vector<8x128xf32> to vector<1x8x128xf32>
    %reduce_sum3A_6 = arith.constant dense<0.000000e+00> : vector<1xf32>
    %reduce_sum3A_7 = vector.multi_reduction <add>, %reduce_sum3A, %reduce_sum3A_6 [1, 2] : vector<1x8x128xf32> to vector<1xf32>
    %reduce_sum3A_8 = vector.shape_cast %reduce_sum3A_7 : vector<1xf32> to vector<1x1x1xf32>
    %reduce_sum3A_9 = vector.extract %reduce_sum3A_8[0, 0, 0] : f32 from vector<1x1x1xf32>
    %broadcast_in_dim3A_10 = vector.broadcast %reduce_sum3A_9 : f32 to vector<1x1xf32>
    %swap3A = arith.constant 0 : index
    %swap3A_11 = arith.constant 0 : index
    %swap3A_12 = vector.load %arg2[%swap3A, %swap3A_11] : memref<1x1xf32, #tpu.memory_space<vmem>>, vector<1x1xf32>
    tpu.vector_store %arg2[%swap3A, %swap3A_11], %broadcast_in_dim3A_10 {strides = array<i32>} : memref<1x1xf32, #tpu.memory_space<vmem>>, vector<1x1xf32>,
    return
  }
}

</mosaic_0001>

<sc_bundles>
// kernel: kernel.4.cloned.1.call-start
scs
__scs_entry_jumppad:
0x0: {  	(pc) =	sbr.rel $0x88, $3  }
0x1: {  	(tag) =	ssettag $0x0;
	lr =	simm.s32 $0x1  }
0x2: {  	[smem:$0x3F97] =	sst lr;
	_ =	strace $0xD0000000  }
0x3: {  	_ = 	snop  }
0x4: {  	_ = 	snop  }
0x5: {  	_ = 	snop  }
0x6: {  	_ = 	snop  }
0x7: {  	_ = 	snop  }
__scs_overlays_trampoline_lowered:
0x8: {  	[smem:$0x3FA6] =	sst s0  }
0x9: {  	[smem:$0x3FA7] =	sst s1  }
0xa: {  	[smem:$0x3FA8] =	sst s2  }
0xb: {  	[smem:$0x3FA9] =	sst s3  }
0xc: {  	[smem:$0x3FAA] =	sst s4  }
0xd: {  	[smem:$0x3FAB] =	sst s5  }
0xe: {  	[smem:$0x3FAC] =	sst s6  }
0xf: {  	[smem:$0x3FAD] =	sst s7  }
0x10: {  	[smem:$0x3FAE] =	sst s8  }
0x11: {  	[smem:$0x3FAF] =	sst s9;
	s0 =	simm.s32 @!p0 $0x0  }
0x12: {  	s1 =	sld [smem:$0x3F95];
	s0 =	simm.s32 @p0 $0x1  }
0x13: {  	[smem:$0x3FB0] =	sst s0;
	s0 =	simm.s32 @!p1 $0x0  }
0x14: {  	s2 =	sld [smem:$0x3F94];
	s0 =	simm.s32 @p1 $0x1  }
0x15: {  	[smem:$0x3FB1] =	sst s0;
	s0 =	simm.s32 @!p2 $0x0  }
0x16: {  	s3 =	sld [smem:$0x3FDB];
	s0 =	simm.s32 @p2 $0x1  }
0x17: {  	s4 =	simm.s32 $0x1BF5;
	[smem:$0x3FB3] =	sst s0  }
0x18: {  	s0 =	sld [smem:$0x3F96];
	_ =	swait.ge [sflag:s4], $0x0  }
0x19: {  	s7 =	sld [smem:$0x3F97]  }
0x1a: {  	s8 =	sadd.s32 $0xFFFFE003, lr  }
0x1b: {  	s9 =	sadd.s32 $0xFFFFFEF7, lr;
	s5 =	simm.s32 $0xFFFFFFFF;
	p2 =	slt.u32 s8, $0xFFFFF086  }
0x1c: {  	p1 =	slt.u32 s9, $0xF7A;
	s5 =	simm.s32 @!p2 $0x0  }
0x1d: {  	s5 =	simm.s32 @p1 $0x1;
	p0 =	seq.s32 s7, s2  }
0x1e: {  	s7 =	smul.u32 @!p0 $0xF7A, s2;
	p2 =	seq.s32 @!p0 s5, $0x0  }
0x1f: {  	s9 =	smul.u32 $0xF7A, s1;
	s8 =	simm.s32 @!p0 $0x1BF5;
	p2 =	por !p2, p0  }
0x20: {  	[sflag:s8] =	ssyncset.s32 @!p0 $0xFFFFF086;
	s6 =	sadd.s32 @!p0 s3, s7;
	s7 =	simm.s32 @!p0 $0x108  }
0x21: {  	s3 =	sadd.s32 s3, s9;
	s6 =	sadd.s32 @!p0 $0x88, s6;
	s7 =	simm.s32 @p2 $0x1082  }
0x22: {  	[simem:s7], [sflag:s8] =	dma.local @!p0 [hbm:s6], $0xF7A  }
0x23: {  	s9 =	sor.u32 $0xD0000000, s2;
	s6 =	simm.s32 $0x108;
	_ =	swait.ge @!p0 [sflag:s8], $0x0  }
0x24: {  	s3 =	sadd.s32 $0x88, s3;
	s6 =	simm.s32 @!p1 $0x1082;
	[sflag:s4] =	ssyncset.s32 $0xFFFFF086  }
0x25: {  	[simem:s6], [sflag:s4] =	dma.local [hbm:s3], $0xF7A  }
0x26: {  	[smem:$0x3F97] =	sst s1;
	(tag) =	ssettag s2;
	_ =	strace s9  }
0x27: {  	s1 =	sld [smem:$0x3FA7]  }
0x28: {  	s2 =	sld [smem:$0x3FA8]  }
0x29: {  	s4 =	sld [smem:$0x3FAA]  }
0x2a: {  	p0 =	seq.s32 s5, $0x0;
	s5 =	sld [smem:$0x3FAB]  }
0x2b: {  	s6 =	sld [smem:$0x3FAC]  }
0x2c: {  	s7 =	sld [smem:$0x3FAD]  }
0x2d: {  	s3 =	simm.s32 $0x108;
	s8 =	sld [smem:$0x3FAE]  }
0x2e: {  	s3 =	simm.s32 @!p0 $0x1082;
	s9 =	sld [smem:$0x3FAF]  }
0x2f: {  	lr =	sadd.s32 s0, s3;
	s0 =	sld [smem:$0x3FA6]  }
0x30: {  	s3 =	sld [smem:$0x3FA9]  }
0x31: {  	[smem:$0x3FB2] =	sst s10  }
0x32: {  	s10 =	sld [smem:$0x3FB0];
	_ =	sdelay $0x3  }
0x33: {  	p0 =	seq.s32 s10, $0x1;
	s10 =	sld [smem:$0x3FB2];
	_ =	sdelay $0x3  }
0x34: {  	[smem:$0x3FB2] =	sst s10  }
0x35: {  	s10 =	sld [smem:$0x3FB1];
	_ =	sdelay $0x3  }
0x36: {  	p1 =	seq.s32 s10, $0x1;
	s10 =	sld [smem:$0x3FB2];
	_ =	sdelay $0x3  }
0x37: {  	[smem:$0x3FB2] =	sst s10  }
0x38: {  	s10 =	sld [smem:$0x3FB3]  }
0x39: {  	_ = 	snop;
	(pc) =	sbr.ind lr, $3  }
0x3a: {  	_ = 	snop  }
0x3b: {  	_ = 	snop  }
0x3c: {  	p2 =	seq.s32 s10, $0x1;
	s10 =	sld [smem:$0x3FB2]  }
0x3d: {  	_ =	shalt  }
0x3e: {  	_ =	shalt  }
0x3f: {  	_ =	shalt  }
0x40: {  	_ =	shalt  }
0x41: {  	_ =	shalt  }
0x42: {  	_ =	shalt  }
0x43: {  	_ =	shalt  }
0x44: {  	_ =	shalt  }
0x45: {  	_ =	shalt  }
0x46: {  	_ =	shalt  }
0x47: {  	_ =	shalt  }
0x48: {  	_ =	shalt  }
0x49: {  	_ =	shalt  }
0x4a: {  	_ =	shalt  }
0x4b: {  	_ =	shalt  }
0x4c: {  	_ =	shalt  }
0x4d: {  	_ =	shalt  }
0x4e: {  	_ =	shalt  }
0x4f: {  	_ =	shalt  }
0x50: {  	_ =	shalt  }
0x51: {  	_ =	shalt  }
0x52: {  	_ =	shalt  }
0x53: {  	_ =	shalt  }
0x54: {  	_ =	shalt  }
0x55: {  	_ =	shalt  }
0x56: {  	_ =	shalt  }
0x57: {  	_ =	shalt  }
0x58: {  	_ =	shalt  }
0x59: {  	_ =	shalt  }
0x5a: {  	_ =	shalt  }
0x5b: {  	_ =	shalt  }
0x5c: {  	_ =	shalt  }
0x5d: {  	_ =	shalt  }
0x5e: {  	_ =	shalt  }
0x5f: {  	_ =	shalt  }
0x60: {  	_ =	shalt  }
0x61: {  	_ =	shalt  }
0x62: {  	_ =	shalt  }
0x63: {  	_ =	shalt  }
0x64: {  	_ =	shalt  }
0x65: {  	_ =	shalt  }
0x66: {  	_ =	shalt  }
0x67: {  	_ =	shalt  }
0x68: {  	_ =	shalt  }
0x69: {  	_ =	shalt  }
0x6a: {  	_ =	shalt  }
0x6b: {  	_ =	shalt  }
0x6c: {  	_ =	shalt  }
0x6d: {  	_ =	shalt  }
0x6e: {  	_ =	shalt  }
0x6f: {  	_ =	shalt  }
0x70: {  	_ =	shalt  }
0x71: {  	_ =	shalt  }
0x72: {  	_ =	shalt  }
0x73: {  	_ =	shalt  }
0x74: {  	_ =	shalt  }
0x75: {  	_ =	shalt  }
0x76: {  	_ =	shalt  }
0x77: {  	_ =	shalt  }
0x78: {  	_ =	shalt  }
0x79: {  	_ =	shalt  }
0x7a: {  	_ =	shalt  }
0x7b: {  	_ =	shalt  }
0x7c: {  	_ =	shalt  }
0x7d: {  	_ =	shalt  }
0x7e: {  	_ =	shalt  }
0x7f: {  	_ =	shalt  }
0x80: {  	_ =	shalt  }
0x81: {  	_ =	shalt  }
0x82: {  	_ =	shalt  }
0x83: {  	_ =	shalt  }
0x84: {  	_ =	shalt  }
0x85: {  	_ =	shalt  }
0x86: {  	_ =	shalt  }
0x87: {  	_ =	shalt  }
.Lfunc_end0:
.L_simem_size_0:
called_computation_lowered:
.L_overlay_start_0:
0x88: {  	s2 =	sld [smem:$0x3FD9]  }
0x89: {  	s3 =	sld [smem:$0x3FFE];
	_ =	sdelay $0x1  }
0x8a: {  	s1 =	srdreg.scid  }
0x8b: {  	s0 =	sand.u32 $0x1, s1  }
0x8c: {  	s17 =	sshll.u32 s0, $0xA;
	s2 =	sadd.s32 s3, s2  }
0x8d: {  	s2 =	sadd.s32 s2, s17  }
0x8e: {  	[smem:$0x3FBE] =	sst s2  }
0x8f: {  	_ = 	snop  }
0x90: {  	s2 =	sld [smem:$0x3FC9]  }
0x91: {  	s18 =	sld [smem:$0x3FC8]  }
0x92: {  	s4 =	sld [smem:$0x3FC7]  }
0x93: {  	s5 =	sld [smem:$0x3FC6]  }
0x94: {  	s6 =	sld [smem:$0x3FC5]  }
0x95: {  	s7 =	sld [smem:$0x3FC4]  }
0x96: {  	s8 =	sld [smem:$0x3FC3]  }
0x97: {  	s9 =	sld [smem:$0x3FC2]  }
0x98: {  	s10 =	sld [smem:$0x3FC1];
	(tm) =	ssettm $0x1  }
0x99: {  	s11 =	sld [smem:$0x3FFB];
	_ =	sdelay $0x3  }
0x9a: {  	_ =	strace s11  }
0x9b: {  	s11 =	sld [smem:$0x3FFC];
	_ =	sdelay $0x3  }
0x9c: {  	_ =	strace s11  }
0x9d: {  	s11 =	sld [smem:$0x3FFD];
	_ =	sdelay $0x3  }
0x9e: {  	_ =	strace s11  }
0x9f: {  	_ =	strace $0x8FFFFFFF  }
0xa0: {  	s19 =	sld [smem:$0x3FDB];
	_ =	sdelay $0x1  }
0xa1: {  	s12 =	simm.s32 $_scs_section_size  }
0xa2: {  	s13 =	simm.s32 $_size__tile_overlayer_lowered;
	s14 =	simm.s32 $_tile_overlayer_lowered  }
0xa3: {  	s22 =	simm.s32 $0x1BFF;
	s21 =	sshll.u32 s14, $0x1;
	s11 =	sadd.s32 s12, s19  }
0xa4: {  	s15 =	simm.s32 $0x0;
	s20 =	sshll.u32 s13, $0x1;
	s13 =	sadd.s32 s21, s11  }
0xa5: {  	[timem:s15], [sflag:s22] =	dma.local [hbm:s13], s20  }
0xa6: {  	_ =	swait.ge [sflag:s22], s20  }
0xa7: {  	s12 =	ssub.s32 $0x0, s20;
	[sflag:s22] =	ssyncset.done $0x0  }
0xa8: {  	[sflag:s22] =	ssyncadd.s32 s12;
	_ =	sdelay $0x1  }
0xa9: {  	s23 =	simm.s32 $0x1B8B  }
0xaa: {  	_ =	swait.ge [sflag:s23], $0x1  }
0xab: {  	[sflag:s23] =	ssyncset.done $0x0  }
0xac: {  	s25 =	simm.s32 $0x1B8E;
	s24 =	sld [smem:$0x3FFE];
	[sflag:s23] =	ssyncadd.s32 $0xFFFFFFFF  }
0xad: {  	s26 =	simm.s32 $execute0_lowered;
	[smem:$0x3FD2] =	sst s25  }
0xae: {  	s13 =	sshll.u32 s26, $0x1;
	_ =	strace $0x80000046;
	[dreg:$0x1] =	wrdreg $0xFFFFFFFF  }
0xaf: {  	s28 =	simm.s32 $_size_execute0_lowered;
	s11 =	sadd.s32 s11, s13;
	[dreg:$0x0] =	wrdreg $0x0  }
0xb0: {  	s13 =	sshll.u32 s28, $0x1;
	[dreg:$0x2] =	wrdreg s11  }
0xb1: {  	[dreg:$0x3] =	wrdreg s13  }
0xb2: {  	[dreg:$0x4] =	wrdreg $0xC0  }
0xb3: {  	_ =	task [dreg:s15], $0x5FFFF  }
0xb4: {  	[dreg:$0x1] =	wrdreg $0xFFFFFFFF  }
0xb5: {  	[dreg:$0x0] =	wrdreg $0x60  }
0xb6: {  	[dreg:$0x2] =	wrdreg s2  }
0xb7: {  	[dreg:$0x3] =	wrdreg s18  }
0xb8: {  	[dreg:$0x4] =	wrdreg s4  }
0xb9: {  	[dreg:$0x5] =	wrdreg s5  }
0xba: {  	[dreg:$0x6] =	wrdreg s6  }
0xbb: {  	[dreg:$0x7] =	wrdreg s7  }
0xbc: {  	[dreg:$0x8] =	wrdreg s8  }
0xbd: {  	[dreg:$0x9] =	wrdreg s9  }
0xbe: {  	[dreg:$0xa] =	wrdreg s10  }
0xbf: {  	[dreg:$0xb] =	wrdreg s24  }
0xc0: {  	[dreg:$0xc] =	wrdreg $0x13E400  }
0xc1: {  	[dreg:$0xd] =	wrdreg $0x9  }
0xc2: {  	_ =	task.clear_ibuf [dreg:s15], $0xEFFFF;
	_ =	strace $0x90000046  }
0xc3: {  	s29 =	simm.s32 $0x9;
	_ =	strace $0x80000048  }
0xc4: {  	_ =	swait.ge [sflag:s29], $0x1  }
0xc5: {  	[sflag:s29] =	ssyncadd.s32 $0xFFFFFFFF  }
0xc6: {  	_ =	strace $0x90000048  }
0xc7: {  	_ =	sfence  }
0xc8: {  	s30 =	sld [smem:$0x0];
	_ =	sdelay $0x2  }
0xc9: {  	s31 =	sshll.u32 s1, $0xD;
	s1 =	sshrl.u32 s1, $0x2  }
0xca: {  	s3 =	sand.u32 $0x4000, s31;
	s1 =	sadd.s32 s1, s30  }
0xcb: {  	s0 =	sor.u32 s3, s0;
	s1 =	sshll.u32 s1, $0x11  }
0xcc: {  	s0 =	sor.u32 s1, s0  }
0xcd: {  	s0 =	sadd.s32 $0x8F2B, s0  }
0xce: {  	[sflag:s0] =	ssyncadd.remote.s32 $0x1  }
0xcf: {  	_ =	sfence.sel $0xFFFF  }
0xd0: {  	[dreg:$0x0] =	wrdreg $0xFFFFFFFF;
	(pc) =	sbr.abs _section_cstart, $3  }
0xd1: {  	[dreg:$0x1] =	wrdreg $0xFFFFFFFF  }
0xd2: {  	_ =	task.clear_ibuf [dreg:s15], $0x2FFFF;
	_ =	strace $0x9FFFFFFF  }
0xd3: {  	(tm) =	ssettm $0x7FFFFFFF  }
tec
execute0_lowered:
.L_overlay_start_1:
0x0: {  	(tag) =	ssettag $0x1  }
0x1: {  	s0 =	rddreg [dreg:$0x0]  }
0x2: {  	s1 =	rddreg [dreg:$0x1]  }
0x3: {  	s7 =	rddreg [dreg:$0x2]  }
0x4: {  	s8 =	rddreg [dreg:$0x3]  }
0x5: {  	s9 =	rddreg [dreg:$0x4]  }
0x6: {  	s10 =	rddreg [dreg:$0x5]  }
0x7: {  	s11 =	rddreg [dreg:$0x6]  }
0x8: {  	s12 =	rddreg [dreg:$0x7];
	s2 =	srdreg.scid  }
0x9: {  	s23 =	stileid.u32;
	s13 =	rddreg [dreg:$0x8]  }
0xa: {  	s16 =	rddreg [dreg:$0x9];
	s3 =	simm.s32 $0x0;
	s28 =	simm.s32 $0xBD40  }
0xb: {  	s29 =	simm.s32 $0x10;
	s30 =	simm.s32 $0x20;
	s31 =	simm.s32 $0x0  }
0xc: {  	s14 =	sand.u32 $0x1, s2;
	s21 =	sshll.u32 s23, $0x1;
	s2 =	rddreg [dreg:$0xa]  }
0xd: {  	[smem:$0x7FF] =	sst s3;
	s17 =	sadd.s32 $0x800, s16;
	s24 =	sshll.u32 s23, $0xC  }
0xe: {  	s25 =	sadd.s32 $0x880, s16;
	p0 =	sne.s32 s23, $0x0;
	s23 =	simm.s32 $0x80  }
0xf: {  	s21 =	sor.u32 s14, s21;
	s5 =	ssub.s32 $0x2, s14;
	_ =	strace $0x80000047  }
0x10: {  	s22 =	sshll.u32 s14, $0x10;
	s19 =	sor.u32 $0x800, s24;
	s4 =	smul.u32 $0x620, s21  }
0x11: {  	s6 =	sshrl.u32 s5, $0x1;
	s14 =	sor.u32 s24, s22;
	p1 =	sne.s32 s21, $0x1F  }
0x12: {  	s21 =	simm.s32 $0x1;
	s20 =	ssub.s32 s5, s6;
	s18 =	sshrl.u32 s14, $0x3  }
0x13: {  	s4 =	smin.u32 s4, $0xBD30;
	s14 =	sadd.s32 s17, s18;
	s16 =	sadd.s32 s18, s25  }
0x14: {  	s18 =	sadd.s32 s19, s2;
	s20 =	smax.u32 s20, $0x1;
	s15 =	sshrl.u32 s4, $0x3  }
0x15: {  	s26 =	sadd.s32 $0x80, s18;
	s4 =	sadd.s32 s0, s15;
	s6 =	sadd.s32 s1, s15  }
0x16: {  	v0 =	vlaneseq.u32;
	v16 =	vimm.f32 $0.0e+00;
	s7 =	sadd.s32 s7, s15;
	s8 =	sadd.s32 s8, s15;
	s9 =	sadd.s32 s9, s15  }
0x17: {  	v1 =	vor.u32 $0x80, v0;
	v2 =	vor.u32 $0x10, v0;
	v3 =	vor.u32 $0x90, v0;
	s10 =	sadd.s32 s10, s15;
	s11 =	sadd.s32 s11, s15;
	s12 =	sadd.s32 s12, s15  }
0x18: {  	v4 =	vor.u32 $0x20, v0;
	v5 =	vor.u32 $0xA0, v0;
	v6 =	vor.u32 $0x30, v0;
	s13 =	sadd.s32 s13, s15;
	s15 =	sadd.s32 s24, s2;
	s0 =	sor.u32 s22, s19  }
0x19: {  	v7 =	vor.u32 $0xB0, v0;
	v8 =	vor.u32 $0x40, v0;
	v9 =	vor.u32 $0xC0, v0;
	s5 =	sadd.s32 $0x186A, s4;
	s22 =	sadd.s32 $0x80, s15;
	s0 =	sshrl.u32 s0, $0x3  }
0x1a: {  	v10 =	vor.u32 $0x50, v0;
	v11 =	vor.u32 $0xD0, v0;
	v12 =	vor.u32 $0x60, v0;
	s17 =	sadd.s32 s17, s0;
	s19 =	sadd.s32 s0, s25;
	s24 =	sshrl.u32 s22, $0x3  }
0x1b: {  	v13 =	vor.u32 $0xE0, v0;
	v14 =	vor.u32 $0x70, v0;
	v15 =	vor.u32 $0xF0, v0;
	s25 =	sshrl.u32 s26, $0x3;
	s22 =	simm.s32 $0x3D40;
	s26 =	simm.s32 $0x14EC0  }
.LBB2_1:
0x1c: {  	[tilespmem:s3], [sflag:$0x1] =	stream.linear.gather [hbm4b:s4+s3], $0x620, $0x38;
	[tilespmem:$0x14F40] =	vst v63  }
0x1d: {  	s0 =	simm.s32 $0x620  }
0x1e: {  	[tilespmem:s0], [sflag:$0x1] =	stream.linear.gather [hbm4b:s5+s3], $0x620, $0x38;
	[tilespmem:$0x14F40] =	vst v63  }
0x1f: {  	s1 =	simm.s32 $0xC40  }
0x20: {  	[tilespmem:s1], [sflag:$0x1] =	stream.linear.gather [hbm4b:s6+s3], $0x620, $0x38;
	[tilespmem:$0x14F40] =	vst v63  }
0x21: {  	s1 =	simm.s32 $0x1260  }
0x22: {  	[tilespmem:s1], [sflag:$0x1] =	stream.linear.gather [hbm4b:s7+s3], $0x620, $0x38;
	[tilespmem:$0x14F40] =	vst v63  }
0x23: {  	s1 =	simm.s32 $0x1880  }
0x24: {  	[tilespmem:s1], [sflag:$0x1] =	stream.linear.gather [hbm4b:s8+s3], $0x620, $0x38;
	[tilespmem:$0x14F40] =	vst v63  }
0x25: {  	s1 =	simm.s32 $0x1EA0  }
0x26: {  	[tilespmem:s1], [sflag:$0x1] =	stream.linear.gather [hbm4b:s9+s3], $0x620, $0x38;
	[tilespmem:$0x14F40] =	vst v63  }
0x27: {  	s1 =	simm.s32 $0x24C0  }
0x28: {  	[tilespmem:s1], [sflag:$0x1] =	stream.linear.gather [hbm4b:s10+s3], $0x620, $0x38;
	[tilespmem:$0x14F40] =	vst v63  }
0x29: {  	s1 =	simm.s32 $0x2AE0  }
0x2a: {  	[tilespmem:s1], [sflag:$0x1] =	stream.linear.gather [hbm4b:s11+s3], $0x620, $0x38;
	[tilespmem:$0x14F40] =	vst v63  }
0x2b: {  	s1 =	simm.s32 $0x3100  }
0x2c: {  	[tilespmem:s1], [sflag:$0x1] =	stream.linear.gather [hbm4b:s12+s3], $0x620, $0x38;
	[tilespmem:$0x14F40] =	vst v63  }
0x2d: {  	s1 =	simm.s32 $0x3720  }
0x2e: {  	[tilespmem:s1], [sflag:$0x1] =	stream.linear.gather [hbm4b:s13+s3], $0x620, $0x38;
	[tilespmem:$0x14F40] =	vst v63  }
0x2f: {  	[tilespmem:$0x14E40] =	vst v0  }
0x30: {  	[tilespmem:$0x14EC0] =	vst v1  }
0x31: {  	[tilespmem:$0x14E50] =	vst v2  }
0x32: {  	[tilespmem:$0x14ED0] =	vst v3  }
0x33: {  	[tilespmem:$0x14E60] =	vst v4  }
0x34: {  	[tilespmem:$0x14EE0] =	vst v5  }
0x35: {  	[tilespmem:$0x14E70] =	vst v6  }
0x36: {  	[tilespmem:$0x14EF0] =	vst v7  }
0x37: {  	[tilespmem:$0x14E80] =	vst v8  }
0x38: {  	[tilespmem:$0x14F00] =	vst v9  }
0x39: {  	[tilespmem:$0x14E90] =	vst v10  }
0x3a: {  	[tilespmem:$0x14F10] =	vst v11  }
0x3b: {  	[tilespmem:$0x14EA0] =	vst v12  }
0x3c: {  	[tilespmem:$0x14F20] =	vst v13  }
0x3d: {  	[tilespmem:$0x14EB0] =	vst v14  }
0x3e: {  	s0 =	simm.s32 $0x400;
	s1 =	simm.s32 $0x0;
	[tilespmem:$0x14F30] =	vst v15  }
.LBB2_2:
0x3f: {  	p2 =	sne.s32 s0, $0x3FC00;
	[tilespmem:s1+$0x3E30] =	vst v16  }
0x40: {  	[tilespmem:s1+$0x3D40] =	vst v16  }
0x41: {  	[tilespmem:s1+$0x3D50] =	vst v16  }
0x42: {  	[tilespmem:s1+$0x3D60] =	vst v16  }
0x43: {  	[tilespmem:s1+$0x3D70] =	vst v16  }
0x44: {  	[tilespmem:s1+$0x3D80] =	vst v16  }
0x45: {  	[tilespmem:s1+$0x3D90] =	vst v16  }
0x46: {  	[tilespmem:s1+$0x3DA0] =	vst v16  }
0x47: {  	[tilespmem:s1+$0x3DB0] =	vst v16  }
0x48: {  	[tilespmem:s1+$0x3DC0] =	vst v16  }
0x49: {  	[tilespmem:s1+$0x3DD0] =	vst v16  }
.Ltmp0:
0x4a: {  	[tilespmem:s1+$0x3DE0] =	vst v16;
	(pc) =	sbr.rel @p2 .LBB2_2-.Ltmp0, $4  }
0x4b: {  	[tilespmem:s1+$0x3DF0] =	vst v16  }
0x4c: {  	[tilespmem:s1+$0x3E00] =	vst v16  }
0x4d: {  	[tilespmem:s1+$0x3E10] =	vst v16  }
0x4e: {  	[tilespmem:s1+$0x3E20] =	vst v16;
	s1 =	sshra.s32 s0, $0x2;
	s0 =	sadd.s32 $0x400, s0  }
0x4f: {  	[tilespmem:s1+$0x3E30] =	vst v16  }
0x50: {  	[tilespmem:s1+$0x3D40] =	vst v16  }
0x51: {  	[tilespmem:s1+$0x3D50] =	vst v16  }
0x52: {  	[tilespmem:s1+$0x3D60] =	vst v16  }
0x53: {  	[tilespmem:s1+$0x3D70] =	vst v16  }
0x54: {  	[tilespmem:s1+$0x3D80] =	vst v16  }
0x55: {  	[tilespmem:s1+$0x3D90] =	vst v16  }
0x56: {  	[tilespmem:s1+$0x3DA0] =	vst v16  }
0x57: {  	[tilespmem:s1+$0x3DB0] =	vst v16  }
0x58: {  	[tilespmem:s1+$0x3DC0] =	vst v16  }
0x59: {  	[tilespmem:s1+$0x3DD0] =	vst v16  }
0x5a: {  	[tilespmem:s1+$0x3DE0] =	vst v16  }
0x5b: {  	[tilespmem:s1+$0x3DF0] =	vst v16  }
0x5c: {  	[tilespmem:s1+$0x3E00] =	vst v16  }
0x5d: {  	[tilespmem:s1+$0x3E10] =	vst v16  }
0x5e: {  	[tilespmem:s1+$0x3E20] =	vst v16;
	s0 =	simm.s32 @!p0 $0x3D40  }
0x5f: {  	[spmem:s2] =	stream.linear.scatter @!p0 [tilespmem:s0], [sflag:$0x2], $0x10000, $0x38;
	[tilespmem:$0x14F40] =	vst v63  }
0x60: {  	s0 =	simm.s32 @!p0 $0x2  }
0x61: {  	_ =	swait.ge @!p0 [sflag:s0], $0x10000  }
0x62: {  	[sflag:s0] =	ssyncset.done @!p0 $0x0  }
0x63: {  	[sflag:s0] =	ssyncadd.s32 @!p0 $0xFFFF0000  }
0x64: {  	_ =	swait.ge [sflag:s21], $0x620  }
0x65: {  	[sflag:s21] =	ssyncset.done $0x0  }
0x66: {  	[sflag:s21] =	ssyncadd.s32 $0xFFFFF9E0  }
0x67: {  	_ =	swait.ge [sflag:s21], $0x620  }
0x68: {  	[sflag:s21] =	ssyncset.done $0x0  }
0x69: {  	[sflag:s21] =	ssyncadd.s32 $0xFFFFF9E0  }
0x6a: {  	_ =	swait.ge [sflag:s21], $0x620  }
0x6b: {  	[sflag:s21] =	ssyncset.done $0x0  }
0x6c: {  	[sflag:s21] =	ssyncadd.s32 $0xFFFFF9E0  }
0x6d: {  	_ =	swait.ge [sflag:s21], $0x620  }
0x6e: {  	[sflag:s21] =	ssyncset.done $0x0  }
0x6f: {  	[sflag:s21] =	ssyncadd.s32 $0xFFFFF9E0  }
0x70: {  	_ =	swait.ge [sflag:s21], $0x620  }
0x71: {  	[sflag:s21] =	ssyncset.done $0x0  }
0x72: {  	[sflag:s21] =	ssyncadd.s32 $0xFFFFF9E0  }
0x73: {  	_ =	swait.ge [sflag:s21], $0x620  }
0x74: {  	[sflag:s21] =	ssyncset.done $0x0  }
0x75: {  	[sflag:s21] =	ssyncadd.s32 $0xFFFFF9E0  }
0x76: {  	_ =	swait.ge [sflag:s21], $0x620  }
0x77: {  	[sflag:s21] =	ssyncset.done $0x0  }
0x78: {  	[sflag:s21] =	ssyncadd.s32 $0xFFFFF9E0  }
0x79: {  	_ =	swait.ge [sflag:s21], $0x620  }
0x7a: {  	[sflag:s21] =	ssyncset.done $0x0  }
0x7b: {  	[sflag:s21] =	ssyncadd.s32 $0xFFFFF9E0  }
0x7c: {  	_ =	swait.ge [sflag:s21], $0x620  }
0x7d: {  	[sflag:s21] =	ssyncset.done $0x0  }
0x7e: {  	[sflag:s21] =	ssyncadd.s32 $0xFFFFF9E0  }
0x7f: {  	_ =	swait.ge [sflag:s21], $0x620  }
0x80: {  	[sflag:s21] =	ssyncset.done $0x0  }
0x81: {  	v17 =	vimm.f32 @!p1 $0.0e+00;
	[sflag:s21] =	ssyncadd.s32 $0xFFFFF9E0  }
0x82: {  	[tilespmem:$0x24C0] =	vst @!p1 v17  }
0x83: {  	[tilespmem:$0x24D0] =	vst @!p1 v17  }
0x84: {  	[tilespmem:$0x24E0] =	vst @!p1 v17  }
0x85: {  	[tilespmem:$0x24F0] =	vst @!p1 v17  }
0x86: {  	[tilespmem:$0x2500] =	vst @!p1 v17  }
0x87: {  	[tilespmem:$0x2510] =	vst @!p1 v17  }
0x88: {  	[tilespmem:$0x2520] =	vst @!p1 v17  }
0x89: {  	[tilespmem:$0x2530] =	vst @!p1 v17  }
0x8a: {  	[tilespmem:$0x2540] =	vst @!p1 v17  }
0x8b: {  	[tilespmem:$0x2550] =	vst @!p1 v17  }
0x8c: {  	s1 =	simm.s32 $0x0;
	[tilespmem:$0x2560] =	vst @!p1 v17  }
.LBB2_4:
0x8d: {  	s0 =	sshra.s32 s1, $0x2  }
0x8e: {  	v17 =	vld [tilespmem:s0+$0xC40];
	_ =	sdelay $0x1  }
0x8f: {  	v18 =	vld [tilespmem:s0+$0x0];
	_ =	sdelay $0x2  }
0x90: {  	v17 =	vmul.f32 $5.000000000e-01, v17;
	_ =	sdelay $0x1  }
0x91: {  	v18 =	vadd.f32 v17, v18;
	v19 =	vadd.f32 $4.000000000e+00, v17;
	_ =	sdelay $0x1  }
0x92: {  	v21 =	vld [tilespmem:s0+$0x1260];
	v20 =	vsub.f32 v18, v19  }
0x93: {  	v22 =	vld [tilespmem:s0+$0x620]  }
0x94: {  	v23 =	vld [tilespmem:s0+$0x24C0];
	v20 =	vmul.f32 $5.000000000e-01, v20  }
0x95: {  	v24 =	vld [tilespmem:s0+$0x3720]  }
0x96: {  	v25 =	vld [tilespmem:s0+$0x1EA0];
	v20 =	vtrunc.f32 v20  }
0x97: {  	v26 =	vld [tilespmem:s0+$0x1880];
	v21 =	vmul.f32 $5.000000000e-01, v21;
	v20 =	vcvt.f32.s32 v20  }
0x98: {  	v28 =	vld [tilespmem:s0+$0x2AE0]  }
0x99: {  	v29 =	vld [tilespmem:s0+$0x3100];
	v22 =	vadd.f32 v21, v22;
	v30 =	vadd.f32 $4.000000000e+00, v21;
	vm0 =	vgt.s32 v20, $0x0  }
0x9a: {  	v20 =	vnsel vm0, $0x0, v20  }
0x9b: {  	v31 =	vsub.f32 v22, v30;
	v27 =	vshll.u32 v20, $0x1  }
0x9c: {  	v23 =	vmul.f32 v24, v23;
	v60 =	vor.u32 $0x1, v27  }
0x9d: {  	v61 =	vmul.f32 $5.000000000e-01, v31;
	v24 =	vcvt.s32.f32 v60  }
0x9e: {  	v26 =	vadd.f32 v26, v25;
	v33 =	vadd.f32 v29, v28  }
0x9f: {  	v25 =	vmul.f32 v23, v25;
	v62 =	vtrunc.f32 v61;
	v18 =	vsub.f32 v18, v24  }
0xa0: {  	v63 =	vadd.f32 $2.000000000e+00, v17;
	v23 =	vmul.f32 v26, v23;
	v24 =	vcvt.f32.s32 v62  }
0xa1: {  	v35 =	vadd.f32 $2.000000000e+00, v21;
	v17 =	vand.u32 $0x7FFFFFFF, v18;
	v37 =	vadd.f32 $-2.000000000e+00, v18  }
0xa2: {  	vm7 =	vgt.s32 v24, $0x0;
	v41 =	vadd.f32 $-6.000000000e+00, v18;
	v53 =	vadd.f32 $-1.000000000e+01, v18  }
0xa3: {  	vm9 =	vlt.s32 v24, $0x100;
	v36 =	vmin.f32 v17, v19;
	v34 =	vnsel vm7, $0x0, v24  }
0xa4: {  	v17 =	vmin.f32 v17, v63;
	v21 =	vsub.f32 v36, v19;
	v38 =	vshll.u32 v34, $0x1  }
0xa5: {  	v17 =	vsub.f32 v17, v63;
	v26 =	vand.u32 $0x7FFFFFFF, v37;
	v37 =	vadd.f32 $-4.000000000e+00, v18  }
0xa6: {  	v28 =	vor.u32 $0x1, v38;
	v39 =	vmin.f32 v26, v19;
	v26 =	vmin.f32 v26, v63  }
0xa7: {  	v38 =	vadd.f32 $-8.000000000e+00, v18;
	v18 =	vadd.f32 $-1.200000000e+01, v18;
	v21 =	vmul.f32 v21, v21  }
0xa8: {  	v17 =	vmul.f32 v17, v17;
	v31 =	vsub.f32 v39, v19;
	v42 =	vand.u32 $0x7FFFFFFF, v37  }
0xa9: {  	v28 =	vcvt.s32.f32 v28;
	v26 =	vsub.f32 v26, v63;
	v43 =	vmin.f32 v42, v19  }
0xaa: {  	v48 =	vand.u32 $0x7FFFFFFF, v38;
	v18 =	vand.u32 $0x7FFFFFFF, v18;
	v21 =	vmul.f32 v21, v25  }
0xab: {  	v17 =	vmul.f32 v17, v23;
	v31 =	vmul.f32 v31, v31;
	v36 =	vsub.f32 v22, v28  }
0xac: {  	v40 =	vmul.f32 v26, v26;
	v26 =	vand.u32 $0x7FFFFFFF, v41;
	v28 =	vsub.f32 v43, v19  }
0xad: {  	v51 =	vmin.f32 v48, v63;
	v56 =	vmin.f32 v18, v19;
	v58 =	vmin.f32 v18, v63  }
0xae: {  	v44 =	vmin.f32 v26, v19;
	v26 =	vmin.f32 v26, v63;
	v52 =	vsub.f32 v51, v63  }
0xaf: {  	v60 =	vsub.f32 v58, v63;
	v32 =	vsub.f32 v21, v17;
	v17 =	vmul.f32 v31, v25  }
0xb0: {  	v22 =	vmul.f32 v40, v23;
	v21 =	vmin.f32 v42, v63;
	v31 =	vsub.f32 v44, v19  }
0xb1: {  	v45 =	vmul.f32 v28, v28;
	v26 =	vsub.f32 v26, v63;
	v59 =	vand.u32 $0x7FFFFFFF, v36  }
0xb2: {  	v62 =	vadd.f32 $-2.000000000e+00, v36;
	v21 =	vsub.f32 v21, v63;
	v24 =	vnsel vm9, $0x4E6E6B28, v59  }
0xb3: {  	v28 =	vsub.f32 v17, v22;
	v46 =	vmul.f32 v31, v31;
	v47 =	vmul.f32 v45, v25  }
0xb4: {  	v26 =	vmul.f32 v26, v26;
	v31 =	vand.u32 $0x7FFFFFFF, v53;
	v61 =	vmin.f32 v24, v30  }
0xb5: {  	v24 =	vmin.f32 v24, v35;
	v27 =	vand.u32 $0x7FFFFFFF, v62;
	v17 =	vmul.f32 v21, v21  }
0xb6: {  	v55 =	vmin.f32 v31, v19;
	v31 =	vmin.f32 v31, v63;
	v45 =	vsub.f32 v24, v35  }
0xb7: {  	v21 =	vmul.f32 v46, v25;
	v50 =	vmul.f32 v26, v23;
	v37 =	vsub.f32 v55, v19  }
0xb8: {  	v31 =	vsub.f32 v31, v63;
	v63 =	vadd.s32 $0x1, v34;
	v49 =	vmul.f32 v17, v23  }
0xb9: {  	v17 =	vmin.f32 v48, v19;
	vm10 =	vlt.s32 v63, $0x100;
	v48 =	vadd.s32 $0x2, v34  }
0xba: {  	vm12 =	vlt.s32 v63, $0xFF;
	v39 =	vsub.f32 v17, v19;
	v17 =	vshll.u32 v20, $0x8  }
0xbb: {  	v21 =	vsub.f32 v21, v50;
	v20 =	vmul.f32 v52, v52;
	v37 =	vmul.f32 v37, v37  }
0xbc: {  	v31 =	vmul.f32 v31, v31;
	v19 =	vsub.f32 v56, v19;
	v46 =	vnsel vm10, $0x4E6E6B28, v27  }
0xbd: {  	vm11 =	vlt.s32 v48, $0x100;
	v52 =	vadd.f32 $-6.000000000e+00, v36;
	v56 =	vadd.f32 $-8.000000000e+00, v36  }
0xbe: {  	vm15 =	vlt.s32 v48, $0xFF;
	vm8 =	vlt.s32 v17, $0x10000;
	v26 =	vsub.f32 v47, v49  }
0xbf: {  	v40 =	vadd.s32 $0x100, v17;
	v27 =	vmin.f32 v46, v30;
	v47 =	vadd.f32 $-4.000000000e+00, v36  }
0xc0: {  	v24 =	vmin.f32 v46, v35;
	v46 =	vadd.s32 $0x5, v34;
	v54 =	vmul.f32 v39, v39  }
0xc1: {  	v39 =	vnsel vm8, $0x10000, v17;
	v20 =	vmul.f32 v20, v23;
	v57 =	vmul.f32 v37, v25  }
0xc2: {  	v31 =	vmul.f32 v31, v23;
	v19 =	vmul.f32 v19, v19;
	v27 =	vsub.f32 v27, v30  }
0xc3: {  	v24 =	vsub.f32 v24, v35;
	vm4 =	vlt.s32 v46, $0x100;
	vm8 =	vlt.s32 v46, $0xFF  }
0xc4: {  	vm10 =	vlt.s32 v40, $0x10000;
	v37 =	vand.u32 $0x7FFFFFFF, v47;
	v47 =	vadd.s32 $0x6, v34  }
0xc5: {  	v40 =	vnsel vm10, $0x10000, v40;
	v22 =	vmul.f32 v54, v25;
	v18 =	vsub.f32 v57, v31  }
0xc6: {  	v19 =	vmul.f32 v19, v25;
	v25 =	vsub.f32 v61, v30;
	v37 =	vnsel vm11, $0x4E6E6B28, v37  }
0xc7: {  	v27 =	vmul.f32 v27, v27;
	v24 =	vmul.f32 v24, v24;
	v54 =	vadd.s32 $0x3, v34  }
0xc8: {  	v57 =	vadd.s32 $0x4, v34;
	vm5 =	vlt.s32 v47, $0x100;
	vm9 =	vlt.s32 v47, $0xFF  }
0xc9: {  	v41 =	vmin.f32 v37, v30;
	v37 =	vmin.f32 v37, v35;
	vm13 =	vlt.s32 v54, $0x100  }
0xca: {  	vm14 =	vlt.s32 v57, $0x100;
	vm6 =	vlt.s32 v54, $0xFF;
	vm7 =	vlt.s32 v57, $0xFF  }
0xcb: {  	v20 =	vsub.f32 v22, v20;
	v22 =	vmul.f32 v60, v60;
	v25 =	vmul.f32 v25, v25  }
0xcc: {  	v41 =	vsub.f32 v41, v30;
	v42 =	vmul.f32 v27, v29;
	v49 =	vsub.f32 v37, v35  }
0xcd: {  	v50 =	vmul.f32 v24, v33;
	v37 =	vand.u32 $0x7FFFFFFF, v52;
	v22 =	vmul.f32 v22, v23  }
0xce: {  	v37 =	vnsel vm13, $0x4E6E6B28, v37;
	v23 =	vmul.f32 v45, v45;
	v25 =	vmul.f32 v25, v29  }
0xcf: {  	v51 =	vmul.f32 v41, v41;
	v27 =	vmul.f32 v49, v49;
	v24 =	vsub.f32 v42, v50  }
0xd0: {  	v55 =	vmin.f32 v37, v30;
	v37 =	vmin.f32 v37, v35;
	v45 =	vadd.f32 $-1.000000000e+01, v36  }
0xd1: {  	v42 =	vand.u32 $0x7FFFFFFF, v56;
	v36 =	vadd.f32 $-1.200000000e+01, v36;
	v31 =	vsub.f32 v55, v30  }
0xd2: {  	v37 =	vsub.f32 v37, v35;
	v42 =	vnsel vm14, $0x4E6E6B28, v42;
	v23 =	vmul.f32 v23, v33  }
0xd3: {  	v19 =	vsub.f32 v19, v22;
	v53 =	vmul.f32 v51, v29;
	v43 =	vmul.f32 v27, v33  }
0xd4: {  	v27 =	vmin.u32 v34, $0xFF;
	v58 =	vmin.f32 v42, v30;
	v42 =	vmin.f32 v42, v35  }
0xd5: {  	v45 =	vand.u32 $0x7FFFFFFF, v45;
	v36 =	vand.u32 $0x7FFFFFFF, v36;
	v55 =	vmul.f32 v24, v32  }
0xd6: {  	v44 =	vmul.f32 v31, v31;
	v31 =	vnsel vm15, $0xFF, v48;
	v37 =	vmul.f32 v37, v37  }
0xd7: {  	v38 =	vsub.f32 v58, v30;
	v42 =	vsub.f32 v42, v35;
	v45 =	vnsel vm4, $0x4E6E6B28, v45  }
0xd8: {  	v36 =	vnsel vm5, $0x4E6E6B28, v36;
	v50 =	vor.u32 v39, v27;
	v22 =	vsub.f32 v25, v23  }
0xd9: {  	v25 =	vnsel vm12, $0xFF, v63;
	v23 =	vsub.f32 v53, v43;
	v60 =	vmin.f32 v45, v30  }
0xda: {  	v61 =	vmin.f32 v45, v35;
	v62 =	vmin.f32 v36, v30;
	v48 =	vmin.f32 v36, v35  }
0xdb: {  	v36 =	vnsel vm6, $0xFF, v54;
	v44 =	vmul.f32 v44, v29;
	v37 =	vmul.f32 v37, v33  }
0xdc: {  	v52 =	vadd.s32 v39, v31;
	v38 =	vmul.f32 v38, v38;
	v59 =	vmul.f32 v42, v42  }
0xdd: {  	v42 =	vsub.f32 v60, v30;
	v63 =	vsub.f32 v62, v30;
	v51 =	vadd.s32 v39, v25  }
0xde: {  	v53 =	vmul.f32 v22, v32;
	v34 =	vsub.f32 v44, v37;
	v44 =	vsub.f32 v61, v35  }
0xdf: {  	v38 =	vmul.f32 v38, v29;
	v37 =	vmul.f32 v59, v33;
	v35 =	vsub.f32 v48, v35  }
0xe0: {  	v54 =	vadd.s32 v39, v36;
	v45 =	vmul.f32 v42, v42;
	v48 =	vmul.f32 v44, v44  }
0xe1: {  	v41 =	vmul.f32 v63, v63;
	v61 =	vor.u32 v40, v27;
	v49 =	vmul.f32 v35, v35  }
0xe2: {  	v30 =	vsub.f32 v38, v37;
	v37 =	vmul.f32 v45, v29;
	v38 =	vmul.f32 v48, v33  }
0xe3: {  	v35 =	vnsel vm7, $0xFF, v57;
	v41 =	vmul.f32 v41, v29;
	v57 =	vmul.f32 v23, v32  }
0xe4: {  	v56 =	vadd.s32 v39, v35;
	v29 =	vsub.f32 v37, v38;
	v37 =	vnsel vm8, $0xFF, v46  }
0xe5: {  	[tilespmem:v50+s22+$0x0] =	vst.idx.add.f32.msk $0xffff, v53;
	v33 =	vmul.f32 v49, v33;
	v38 =	vnsel vm9, $0xFF, v47;
	v58 =	vadd.s32 v39, v37  }
0xe6: {  	v59 =	vmul.f32 v34, v32;
	[tilespmem:v51+s22+$0x0] =	vst.idx.add.f32.msk $0xffff, v55;
	v39 =	vadd.s32 v39, v38  }
0xe7: {  	[tilespmem:v52+s22+$0x0] =	vst.idx.add.f32.msk $0xffff, v57;
	v60 =	vmul.f32 v30, v32;
	v33 =	vsub.f32 v41, v33  }
0xe8: {  	v63 =	vadd.s32 v40, v25;
	[tilespmem:v54+s22+$0x0] =	vst.idx.add.f32.msk $0xffff, v59;
	v62 =	vmul.f32 v29, v32  }
0xe9: {  	v48 =	vadd.s32 v40, v31;
	[tilespmem:v56+s22+$0x0] =	vst.idx.add.f32.msk $0xffff, v60;
	v32 =	vmul.f32 v33, v32  }
0xea: {  	v50 =	vadd.s32 v40, v36;
	v49 =	vmul.f32 v22, v28;
	[tilespmem:v58+s22+$0x0] =	vst.idx.add.f32.msk $0xffff, v62  }
0xeb: {  	v51 =	vadd.s32 $0x200, v17;
	v53 =	vadd.s32 v40, v35;
	v52 =	vmul.f32 v24, v28;
	[tilespmem:v39+s22+$0x0] =	vst.idx.add.f32.msk $0xffff, v32  }
0xec: {  	vm11 =	vlt.s32 v51, $0x10000;
	v54 =	vmul.f32 v23, v28;
	v55 =	vadd.s32 v40, v37;
	[tilespmem:v61+s22+$0x0] =	vst.idx.add.f32.msk $0xffff, v49  }
0xed: {  	v46 =	vnsel vm11, $0x10000, v51;
	v40 =	vadd.s32 v40, v38;
	v56 =	vmul.f32 v34, v28;
	[tilespmem:v63+s22+$0x0] =	vst.idx.add.f32.msk $0xffff, v52  }
0xee: {  	v57 =	vmul.f32 v30, v28;
	v58 =	vor.u32 v46, v27;
	[tilespmem:v48+s22+$0x0] =	vst.idx.add.f32.msk $0xffff, v54  }
0xef: {  	v59 =	vmul.f32 v29, v28;
	v60 =	vadd.s32 v46, v25;
	[tilespmem:v50+s22+$0x0] =	vst.idx.add.f32.msk $0xffff, v56  }
0xf0: {  	v28 =	vmul.f32 v33, v28;
	v61 =	vadd.s32 v46, v31;
	[tilespmem:v53+s22+$0x0] =	vst.idx.add.f32.msk $0xffff, v57  }
0xf1: {  	v62 =	vmul.f32 v22, v26;
	v63 =	vadd.s32 v46, v36;
	[tilespmem:v55+s22+$0x0] =	vst.idx.add.f32.msk $0xffff, v59  }
0xf2: {  	v45 =	vadd.s32 $0x300, v17;
	v47 =	vmul.f32 v24, v26;
	v48 =	vadd.s32 v46, v35;
	[tilespmem:v40+s22+$0x0] =	vst.idx.add.f32.msk $0xffff, v28  }
0xf3: {  	vm12 =	vlt.s32 v45, $0x10000;
	v49 =	vmul.f32 v23, v26;
	v50 =	vadd.s32 v46, v37;
	[tilespmem:v58+s22+$0x0] =	vst.idx.add.f32.msk $0xffff, v62  }
0xf4: {  	v43 =	vnsel vm12, $0x10000, v45;
	v51 =	vmul.f32 v34, v26;
	v52 =	vadd.s32 v46, v38;
	[tilespmem:v60+s22+$0x0] =	vst.idx.add.f32.msk $0xffff, v47  }
0xf5: {  	v54 =	vor.u32 v43, v27;
	v53 =	vmul.f32 v30, v26;
	[tilespmem:v61+s22+$0x0] =	vst.idx.add.f32.msk $0xffff, v49  }
0xf6: {  	v56 =	vadd.s32 v43, v25;
	v55 =	vmul.f32 v29, v26;
	[tilespmem:v63+s22+$0x0] =	vst.idx.add.f32.msk $0xffff, v51  }
0xf7: {  	v57 =	vadd.s32 v43, v31;
	v26 =	vmul.f32 v33, v26;
	[tilespmem:v48+s22+$0x0] =	vst.idx.add.f32.msk $0xffff, v53  }
0xf8: {  	v59 =	vadd.s32 v43, v36;
	v58 =	vmul.f32 v22, v21;
	[tilespmem:v50+s22+$0x0] =	vst.idx.add.f32.msk $0xffff, v55  }
0xf9: {  	v62 =	vadd.s32 v43, v35;
	v60 =	vadd.s32 $0x400, v17;
	v61 =	vmul.f32 v24, v21;
	[tilespmem:v52+s22+$0x0] =	vst.idx.add.f32.msk $0xffff, v26  }
0xfa: {  	v45 =	vadd.s32 v43, v37;
	vm13 =	vlt.s32 v60, $0x10000;
	v63 =	vmul.f32 v23, v21;
	[tilespmem:v54+s22+$0x0] =	vst.idx.add.f32.msk $0xffff, v58  }
0xfb: {  	v46 =	vmul.f32 v34, v21;
	v47 =	vadd.s32 v43, v38;
	v42 =	vnsel vm13, $0x10000, v60;
	[tilespmem:v56+s22+$0x0] =	vst.idx.add.f32.msk $0xffff, v61  }
0xfc: {  	v48 =	vmul.f32 v30, v21;
	v49 =	vor.u32 v42, v27;
	[tilespmem:v57+s22+$0x0] =	vst.idx.add.f32.msk $0xffff, v63  }
0xfd: {  	v51 =	vadd.s32 v42, v25;
	v50 =	vmul.f32 v29, v21;
	[tilespmem:v59+s22+$0x0] =	vst.idx.add.f32.msk $0xffff, v46  }
0xfe: {  	v21 =	vmul.f32 v33, v21;
	v52 =	vadd.s32 v42, v31;
	[tilespmem:v62+s22+$0x0] =	vst.idx.add.f32.msk $0xffff, v48  }
0xff: {  	v53 =	vmul.f32 v22, v20;
	v54 =	vadd.s32 v42, v36;
	[tilespmem:v45+s22+$0x0] =	vst.idx.add.f32.msk $0xffff, v50  }
0x100: {  	v55 =	vadd.s32 $0x500, v17;
	v56 =	vmul.f32 v24, v20;
	v57 =	vadd.s32 v42, v35;
	[tilespmem:v47+s22+$0x0] =	vst.idx.add.f32.msk $0xffff, v21  }
0x101: {  	vm14 =	vlt.s32 v55, $0x10000;
	v58 =	vmul.f32 v23, v20;
	v59 =	vadd.s32 v42, v37;
	[tilespmem:v49+s22+$0x0] =	vst.idx.add.f32.msk $0xffff, v53  }
0x102: {  	v60 =	vmul.f32 v34, v20;
	v43 =	vnsel vm14, $0x10000, v55;
	v61 =	vadd.s32 v42, v38;
	[tilespmem:v51+s22+$0x0] =	vst.idx.add.f32.msk $0xffff, v56  }
0x103: {  	v63 =	vor.u32 v43, v27;
	v62 =	vmul.f32 v30, v20;
	[tilespmem:v52+s22+$0x0] =	vst.idx.add.f32.msk $0xffff, v58  }
0x104: {  	v44 =	vadd.s32 v43, v25;
	v42 =	vmul.f32 v29, v20;
	[tilespmem:v54+s22+$0x0] =	vst.idx.add.f32.msk $0xffff, v60  }
0x105: {  	v20 =	vmul.f32 v33, v20;
	v45 =	vadd.s32 v43, v31;
	[tilespmem:v57+s22+$0x0] =	vst.idx.add.f32.msk $0xffff, v62  }
0x106: {  	v46 =	vmul.f32 v22, v18;
	v47 =	vadd.s32 v43, v36;
	[tilespmem:v59+s22+$0x0] =	vst.idx.add.f32.msk $0xffff, v42  }
0x107: {  	v17 =	vadd.s32 $0x600, v17;
	v48 =	vmul.f32 v24, v18;
	v49 =	vadd.s32 v43, v35;
	[tilespmem:v61+s22+$0x0] =	vst.idx.add.f32.msk $0xffff, v20  }
0x108: {  	vm15 =	vlt.s32 v17, $0x10000;
	v50 =	vmul.f32 v23, v18;
	v51 =	vadd.s32 v43, v37;
	[tilespmem:v63+s22+$0x0] =	vst.idx.add.f32.msk $0xffff, v46  }
0x109: {  	v17 =	vnsel vm15, $0x10000, v17;
	v53 =	vadd.s32 v43, v38;
	v52 =	vmul.f32 v34, v18;
	[tilespmem:v44+s22+$0x0] =	vst.idx.add.f32.msk $0xffff, v48  }
0x10a: {  	v55 =	vor.u32 v17, v27;
	v54 =	vmul.f32 v30, v18;
	[tilespmem:v45+s22+$0x0] =	vst.idx.add.f32.msk $0xffff, v50  }
0x10b: {  	v25 =	vadd.s32 v17, v25;
	v56 =	vmul.f32 v29, v18;
	[tilespmem:v47+s22+$0x0] =	vst.idx.add.f32.msk $0xffff, v52  }
0x10c: {  	v18 =	vmul.f32 v33, v18;
	v57 =	vadd.s32 v17, v31;
	[tilespmem:v49+s22+$0x0] =	vst.idx.add.f32.msk $0xffff, v54  }
0x10d: {  	v58 =	vmul.f32 v22, v19;
	v59 =	vadd.s32 v17, v36;
	[tilespmem:v51+s22+$0x0] =	vst.idx.add.f32.msk $0xffff, v56  }
0x10e: {  	v60 =	vadd.s32 v17, v35;
	[tilespmem:v53+s22+$0x0] =	vst.idx.add.f32.msk $0xffff, v18;
	v18 =	vmul.f32 v24, v19  }
0x10f: {  	v62 =	vadd.s32 v17, v37;
	v61 =	vmul.f32 v23, v19;
	[tilespmem:v55+s22+$0x0] =	vst.idx.add.f32.msk $0xffff, v58  }
0x110: {  	p2 =	sne.s32 s1, $0x1840;
	v17 =	vadd.s32 v17, v38;
	[tilespmem:v25+s22+$0x0] =	vst.idx.add.f32.msk $0xffff, v18;
	v18 =	vmul.f32 v34, v19  }
.Ltmp1:
0x111: {  	v63 =	vmul.f32 v30, v19;
	[tilespmem:v57+s22+$0x0] =	vst.idx.add.f32.msk $0xffff, v61;
	(pc) =	sbr.rel @p2 .LBB2_4-.Ltmp1, $4  }
0x112: {  	[tilespmem:v59+s22+$0x0] =	vst.idx.add.f32.msk $0xffff, v18;
	v18 =	vmul.f32 v29, v19  }
0x113: {  	v19 =	vmul.f32 v33, v19;
	[tilespmem:v60+s22+$0x0] =	vst.idx.add.f32.msk $0xffff, v63  }
0x114: {  	[tilespmem:v62+s22+$0x0] =	vst.idx.add.f32.msk $0xffff, v18  }
0x115: {  	s1 =	sadd.s32 $0x40, s1;
	[tilespmem:v17+s22+$0x0] =	vst.idx.add.f32.msk $0xffff, v19  }
0x116: {  	[bflag:$0x0] =	sbarrier.arrive $0xFFFF;
	s0 =	simm.s32 $0x14E40  }
0x117: {  	[spmem:s2] =	stream.indirect.scatter.add.f32 [tilespmem:s22], [sflag:$0x1], $0x100, s0, s23, $0xb8;
	[tilespmem:$0x14F40] =	vst v63  }
0x118: {  	_ = 	snop  }
0x119: {  	[spmem:s2] =	stream.indirect.scatter.add.f32 [tilespmem:s28], [sflag:$0x1], $0x100, s26, s23, $0xb8;
	[tilespmem:$0x14F40] =	vst v63  }
0x11a: {  	_ =	swait.ge [sflag:s21], $0x8000  }
0x11b: {  	[sflag:s21] =	ssyncset.done $0x0  }
0x11c: {  	[sflag:s21] =	ssyncadd.s32 $0xFFFF8000  }
0x11d: {  	_ =	swait.ge [sflag:s21], $0x8000  }
0x11e: {  	s1 =	stileid.u32;
	[sflag:s21] =	ssyncset.done $0x0  }
0x11f: {  	s0 =	sshll.u32 s1, $0x6;
	[sflag:s21] =	ssyncadd.s32 $0xFFFF8000  }
0x120: {  	s1 =	sshrl.u32 s15, $0x3;
	s0 =	sor.u32 $0x1C01, s0;
	[bflag:$0x0] =	sbarrier.arrive $0xFFFF  }
0x121: {  	[hbm:s14@s29], [sflag:s0] =	dma.strided [spmem:s1@s30], $0x80, s21, $0x10   }
0x122: {  	s1 =	sshrl.u32 s18, $0x3  }
0x123: {  	[hbm:s16@s29], [sflag:s0] =	dma.strided [spmem:s24@s30], $0x80, s21, $0x10   }
0x124: {  	[hbm:s17@s29], [sflag:s0] =	dma.strided [spmem:s1@s30], $0x80, s21, $0x10   }
0x125: {  	[hbm:s19@s29], [sflag:s0] =	dma.strided [spmem:s25@s30], $0x80, s21, $0x10   }
0x126: {  	_ =	swait.ge [sflag:s21], $0x80  }
0x127: {  	[sflag:s21] =	ssyncset.done $0x0  }
0x128: {  	[sflag:s21] =	ssyncadd.s32 $0xFFFFFF80  }
0x129: {  	_ =	swait.ge [sflag:s21], $0x80  }
0x12a: {  	[sflag:s21] =	ssyncset.done $0x0  }
0x12b: {  	s31 =	sadd.s32 $0x1, s31;
	[sflag:s21] =	ssyncadd.s32 $0xFFFFFF80  }
0x12c: {  	p2 =	sne.s32 s31, s20;
	_ =	swait.ge [sflag:s21], $0x80  }
.Ltmp2:
0x12d: {  	[sflag:s21] =	ssyncset.done $0x0;
	(pc) =	sbr.rel @p2 .LBB2_1-.Ltmp2, $4  }
0x12e: {  	[sflag:s21] =	ssyncadd.s32 $0xFFFFFF80  }
0x12f: {  	_ =	swait.ge [sflag:s21], $0x80  }
0x130: {  	[sflag:s21] =	ssyncset.done $0x0  }
0x131: {  	[sflag:s21] =	ssyncadd.s32 $0xFFFFFF80  }
0x132: {  	_ =	sfence.sel $0x180000  }
0x133: {  	[bflag:$0x0] =	sbarrier.arrive $0xFFFF  }
0x134: {  	_ =	strace $0x90000047  }
0x135: {  	[bflag:$0x2] =	sbarrier.arrive $0xFFFF  }
0x136: {  	s0 =	rddreg [dreg:$0xb]  }
0x137: {  	s0 =	sadd.s32 @!p0 $0x100000, s0  }
0x138: {  	[sflag:s0] =	ssyncadd.tile.s32 @!p0 $0x1;
	_ =	shalt  }
.Lfunc_end2:
_tile_overlayer_lowered:
.L_overlay_start_2:
0x139: {  	(tag) =	ssettag $0x2  }
0x13a: {  	s0 =	rddreg [dreg:$0x0];
	s2 =	stileid.u32  }
0x13b: {  	s1 =	rddreg [dreg:$0x1];
	p0 =	sne.s32 s2, $0x0  }
0x13c: {  	s3 =	rddreg [dreg:$0x2];
	[bflag:$0x3] =	sbarrier.arrive $0xFFFF;
	s2 =	simm.s32 @!p0 $0x1C02  }
0x13d: {  	[timem:s3], [sflag:s2] =	dma.local @!p0 [hbm:s0], s1  }
0x13e: {  	s0 =	simm.s32 @!p0 $0x2  }
0x13f: {  	_ =	swait.ge @!p0 [sflag:s0], s1  }
0x140: {  	s1 =	ssub.s32 @!p0 $0x0, s1;
	[sflag:s0] =	ssyncset.done @!p0 $0x0  }
0x141: {  	[sflag:s0] =	ssyncadd.s32 @!p0 s1  }
0x142: {  	[bflag:$0x3] =	sbarrier.arrive $0xFFFF  }
0x143: {  	_ =	shalt  }

</sc_bundles>
